<compile_context>
chip_gen: v7x
topology: tpu7x:2x2x1
jax: 0.10.2.dev20260603
libtpu: 0.0.44.dev20260713+nightly
codegen_flags: <defaults>
</compile_context>

<pallas_src>
import functools

import jax
import jax.numpy as jnp
from jax import lax
from jax.experimental import pallas as pl
from jax.experimental.pallas import tpu as pltpu
from jax.experimental.pallas import tpu_sc as plsc

_NC = 2
_NS = 16
_NW = _NC * _NS

_B = 4096
_L = 200
_E = 64
_N = _B * _L
_CHUNK = 128
_NBUF = 4
_LOOK = 2


def _make_body(nchunk):
    per_w = nchunk * _CHUNK
    nrot = nchunk // _NBUF
    assert nchunk % _NBUF == 0

    def body(ids_hbm, table_hbm, out_hbm, idx_v, rows_v, *sems):
        gsems = sems[:_NBUF]
        ssems = sems[_NBUF:]
        wid = lax.axis_index("s") * _NC + lax.axis_index("c")
        base = wid * per_w

        pltpu.sync_copy(ids_hbm.at[wid], idx_v)

        def gather_start(g, b):
            pltpu.async_copy(table_hbm.at[idx_v.at[g]], rows_v.at[b], gsems[b])

        def gather_wait(g, b):
            pltpu.make_async_copy(
                table_hbm.at[idx_v.at[g]], rows_v.at[b], gsems[b]).wait()

        def store_start(g, b):
            pltpu.async_copy(
                rows_v.at[b], out_hbm.at[pl.ds(base + g * _CHUNK, _CHUNK)],
                ssems[b])

        def store_wait(g, b):
            pltpu.make_async_copy(
                rows_v.at[b], out_hbm.at[pl.ds(base + g * _CHUNK, _CHUNK)],
                ssems[b]).wait()

        for g in range(_LOOK):
            gather_start(g, g % _NBUF)

        for b in range(_NBUF):
            g = b
            if g + _LOOK >= _NBUF:
                store_wait(g + _LOOK - _NBUF, (g + _LOOK) % _NBUF)
            gather_start(g + _LOOK, (g + _LOOK) % _NBUF)
            gather_wait(g, b)
            store_start(g, b)

        def rot(i, carry):
            for b in range(_NBUF):
                g = i * _NBUF + b
                store_wait(g + _LOOK - _NBUF, (b + _LOOK) % _NBUF)
                gather_start(g + _LOOK, (b + _LOOK) % _NBUF)
                gather_wait(g, b)
                store_start(g, b)
            return carry

        lax.fori_loop(1, nrot - 1, rot, 0)

        for b in range(_NBUF):
            g = (nrot - 1) * _NBUF + b
            if g + _LOOK < nchunk:
                store_wait(g + _LOOK - _NBUF, (b + _LOOK) % _NBUF)
                gather_start(g + _LOOK, (b + _LOOK) % _NBUF)
            gather_wait(g, b)
            store_start(g, b)

        for b in range(_NBUF):
            g = (nrot - 1) * _NBUF + b
            store_wait(g, b)

    return body


@functools.lru_cache(maxsize=None)
def _make_emb(nchunk):
    mesh = plsc.VectorSubcoreMesh(core_axis_name="c", subcore_axis_name="s")
    scratch = [
        pltpu.VMEM((nchunk, _CHUNK), jnp.int32),
        pltpu.VMEM((_NBUF, _CHUNK, _E), jnp.float32),
    ] + [pltpu.SemaphoreType.DMA] * (2 * _NBUF)
    return pl.kernel(
        _make_body(nchunk),
        out_type=jax.ShapeDtypeStruct((nchunk * _CHUNK * _NW, _E),
                                      jnp.float32),
        mesh=mesh,
        scratch_types=scratch,
        compiler_params=pltpu.CompilerParams(use_tc_tiling_on_sc=False),
    )


def _emb(ids_flat, table):
    n = ids_flat.shape[0]
    nchunk = n // (_NW * _CHUNK)
    ids3 = ids_flat.reshape(_NW, nchunk, _CHUNK)
    return _make_emb(nchunk)(ids3, table)


@jax.jit
def _run(ids_flat, table):
    return _emb(ids_flat, table)


def kernel(token_ids, table):
    ids_flat = token_ids.reshape(_N).astype(jnp.int32)
    out = _run(ids_flat, table)
    return out.reshape(_B, _L, _E)

# --- scband reference (transcript-rebuilt; emitter-appended) ---
"""Pipeline reference for scband-basic-embedder-19378892439604 (READ-ONLY COPY).

The authoritative reference and input builder live on the scoring server;
editing this copy changes nothing except your own understanding.
"""

import jax, jax.numpy as jnp
import numpy as np

NUM_EMBEDDINGS = 100000
EMBEDDING_DIM = 64
PADDING_IDX = 0
BATCH = 4096
SEQ_LEN = 200


def setup_inputs(seed: int = 0) -> dict:
    key = jax.random.key(seed)
    k1, k2 = jax.random.split(key)
    token_ids = jax.random.randint(k1, (BATCH, SEQ_LEN), 0, NUM_EMBEDDINGS, dtype=jnp.int64 if jax.config.jax_enable_x64 else jnp.int32)
    # nn.Embedding default init: N(0,1); padding_idx row zeroed
    table = jax.random.normal(k2, (NUM_EMBEDDINGS, EMBEDDING_DIM), dtype=jnp.float32)
    table = table.at[PADDING_IDX].set(0.0)
    return {"token_ids": token_ids, "table": table}


def reference(token_ids, table):
    # BasicEmbedder.forward: inputs are already dense/padded here, so it is
    # a plain embedding lookup: (B, L) -> (B, L, E)
    embs = jnp.take(table, token_ids, axis=0)
    return embs

if __name__ == "__main__":
    import jax
    _d = setup_inputs()
    print(jax.jit(kernel)(*tuple(_d.values())))

</pallas_src>

<mosaic_0001>
#map = affine_map<(d0, d1) -> (0, 0, 0)>
#map1 = affine_map<(d0, d1) -> (0, 0)>
module attributes {stable_mosaic.version = 14 : i64} {
  func.func @body(%arg0: i32, %arg1: i32, %arg2: memref<32x200x128xi32, #tpu.memory_space<hbm>>, %arg3: memref<100000x64xf32, #tpu.memory_space<hbm>>, %arg4: memref<819200x64xf32, #tpu.memory_space<hbm>>, %arg5: memref<200x128xi32, #tpu.memory_space<vmem>>, %arg6: memref<4x128x64xf32, #tpu.memory_space<vmem>>, %arg7: memref<!tpu.dma_semaphore, #tpu.memory_space<semaphore_mem>>, %arg8: memref<!tpu.dma_semaphore, #tpu.memory_space<semaphore_mem>>, %arg9: memref<!tpu.dma_semaphore, #tpu.memory_space<semaphore_mem>>, %arg10: memref<!tpu.dma_semaphore, #tpu.memory_space<semaphore_mem>>, %arg11: memref<!tpu.dma_semaphore, #tpu.memory_space<semaphore_mem>>, %arg12: memref<!tpu.dma_semaphore, #tpu.memory_space<semaphore_mem>>, %arg13: memref<!tpu.dma_semaphore, #tpu.memory_space<semaphore_mem>>, %arg14: memref<!tpu.dma_semaphore, #tpu.memory_space<semaphore_mem>>) attributes {dimension_semantics = [#tpu.dimension_semantics<core_parallel>, #tpu.dimension_semantics<subcore_parallel>], iteration_bounds = array<i64: 2, 16>, scalar_prefetch = 0 : i64, scratch_operands = 10 : i64, tpu.core_type = #tpu.core_type<sc_vector_subcore>, window_params = [{transform_indices = #map}, {transform_indices = #map1}, {transform_indices = #map1}]} {
    %mul3A = arith.constant 2 : i32
    %mul3A_0 = arith.muli %arg1, %mul3A : i32
    %add3A = arith.addi %mul3A_0, %arg0 : i32
    %mul3A_1 = arith.constant 25600 : i32
    %mul3A_2 = arith.muli %add3A, %mul3A_1 : i32
    "tpu.region"() ({
      %run_scoped3A = tpu.sem_alloc : memref<!tpu.dma_semaphore, #tpu.memory_space<semaphore_mem>>
      %dma_start3A_438 = arith.constant 0 : i32
      %dma_start3A_439 = arith.constant 0 : i32
      %dma_start3A_440 = tpu.memref_slice %arg2[%add3A, %dma_start3A_438, %dma_start3A_439] : memref<32x200x128xi32, #tpu.memory_space<hbm>> -> memref<1x200x128xi32, #tpu.memory_space<hbm>>
      %dma_start3A_441 = tpu.memref_squeeze %dma_start3A_440 : memref<1x200x128xi32, #tpu.memory_space<hbm>> -> memref<200x128xi32, #tpu.memory_space<hbm>>
      %dma_start3A_442 = arith.constant 0 : i32
      %dma_start3A_443 = arith.constant 0 : i32
      %dma_start3A_444 = tpu.memref_slice %arg2[%add3A, %dma_start3A_442, %dma_start3A_443] : memref<32x200x128xi32, #tpu.memory_space<hbm>> -> memref<1x200x128xi32, #tpu.memory_space<hbm>>
      %dma_start3A_445 = tpu.memref_squeeze %dma_start3A_444 : memref<1x200x128xi32, #tpu.memory_space<hbm>> -> memref<200x128xi32, #tpu.memory_space<hbm>>
      tpu.enqueue_dma source(%dma_start3A_445 : memref<200x128xi32, #tpu.memory_space<hbm>>) target(%arg5 : memref<200x128xi32, #tpu.memory_space<vmem>>) target_semaphore(%run_scoped3A : memref<!tpu.dma_semaphore, #tpu.memory_space<semaphore_mem>>)
      %dma_wait3A_446 = arith.constant 0 : i32
      %dma_wait3A_447 = arith.constant 0 : i32
      %dma_wait3A_448 = tpu.memref_slice %arg2[%add3A, %dma_wait3A_446, %dma_wait3A_447] : memref<32x200x128xi32, #tpu.memory_space<hbm>> -> memref<1x200x128xi32, #tpu.memory_space<hbm>>
      %dma_wait3A_449 = tpu.memref_squeeze %dma_wait3A_448 : memref<1x200x128xi32, #tpu.memory_space<hbm>> -> memref<200x128xi32, #tpu.memory_space<hbm>>
      %dma_wait3A_450 = arith.constant 0 : i32
      %dma_wait3A_451 = arith.constant 0 : i32
      %dma_wait3A_452 = tpu.memref_slice %arg2[%add3A, %dma_wait3A_450, %dma_wait3A_451] : memref<32x200x128xi32, #tpu.memory_space<hbm>> -> memref<1x200x128xi32, #tpu.memory_space<hbm>>
      %dma_wait3A_453 = tpu.memref_squeeze %dma_wait3A_452 : memref<1x200x128xi32, #tpu.memory_space<hbm>> -> memref<200x128xi32, #tpu.memory_space<hbm>>
      tpu.wait_dma2 semaphore(%run_scoped3A : memref<!tpu.dma_semaphore, #tpu.memory_space<semaphore_mem>>) src(%dma_wait3A_453 : memref<200x128xi32, #tpu.memory_space<hbm>>) dst(%arg5 : memref<200x128xi32, #tpu.memory_space<vmem>>)
      tpu.yield
    }) : () -> ()
    %dma_start3A = arith.constant 0 : i32
    %dma_start3A_3 = arith.constant 0 : i32
    %dma_start3A_4 = arith.constant 0 : i32
    %dma_start3A_5 = arith.constant 0 : i32
    %dma_start3A_6 = tpu.memref_slice %arg6[%dma_start3A_3, %dma_start3A_4, %dma_start3A_5] : memref<4x128x64xf32, #tpu.memory_space<vmem>> -> memref<1x128x64xf32, #tpu.memory_space<vmem>>
    %dma_start3A_7 = tpu.memref_squeeze %dma_start3A_6 : memref<1x128x64xf32, #tpu.memory_space<vmem>> -> memref<128x64xf32, #tpu.memory_space<vmem>>
    %dma_start3A_8 = arith.constant 0 : i32
    %dma_start3A_9 = tpu.memref_slice %arg5[%dma_start3A, %dma_start3A_8] : memref<200x128xi32, #tpu.memory_space<vmem>> -> memref<1x128xi32, #tpu.memory_space<vmem>>
    %dma_start3A_10 = tpu.memref_squeeze %dma_start3A_9 : memref<1x128xi32, #tpu.memory_space<vmem>> -> memref<128xi32, #tpu.memory_space<vmem>>
    %dma_start3A_11 = arith.constant 0 : i32
    %dma_start3A_12 = arith.constant 0 : i32
    %dma_start3A_13 = tpu.memref_slice %arg3[%dma_start3A_11, %dma_start3A_12] : memref<100000x64xf32, #tpu.memory_space<hbm>> -> memref<100000x64xf32, #tpu.memory_space<hbm>>
    tpu.enqueue_indirect_dma source(%dma_start3A_13 : memref<100000x64xf32, #tpu.memory_space<hbm>>) target(%dma_start3A_7 : memref<128x64xf32, #tpu.memory_space<vmem>>) offsets(%dma_start3A_10 : memref<128xi32, #tpu.memory_space<vmem>>) semaphore(%arg7 : memref<!tpu.dma_semaphore, #tpu.memory_space<semaphore_mem>>)
    %dma_start3A_14 = arith.constant 1 : i32
    %dma_start3A_15 = arith.constant 1 : i32
    %dma_start3A_16 = arith.constant 0 : i32
    %dma_start3A_17 = arith.constant 0 : i32
    %dma_start3A_18 = tpu.memref_slice %arg6[%dma_start3A_15, %dma_start3A_16, %dma_start3A_17] : memref<4x128x64xf32, #tpu.memory_space<vmem>> -> memref<1x128x64xf32, #tpu.memory_space<vmem>>
    %dma_start3A_19 = tpu.memref_squeeze %dma_start3A_18 : memref<1x128x64xf32, #tpu.memory_space<vmem>> -> memref<128x64xf32, #tpu.memory_space<vmem>>
    %dma_start3A_20 = arith.constant 0 : i32
    %dma_start3A_21 = tpu.memref_slice %arg5[%dma_start3A_14, %dma_start3A_20] : memref<200x128xi32, #tpu.memory_space<vmem>> -> memref<1x128xi32, #tpu.memory_space<vmem>>
    %dma_start3A_22 = tpu.memref_squeeze %dma_start3A_21 : memref<1x128xi32, #tpu.memory_space<vmem>> -> memref<128xi32, #tpu.memory_space<vmem>>
    %dma_start3A_23 = arith.constant 0 : i32
    %dma_start3A_24 = arith.constant 0 : i32
    %dma_start3A_25 = tpu.memref_slice %arg3[%dma_start3A_23, %dma_start3A_24] : memref<100000x64xf32, #tpu.memory_space<hbm>> -> memref<100000x64xf32, #tpu.memory_space<hbm>>
    tpu.enqueue_indirect_dma source(%dma_start3A_25 : memref<100000x64xf32, #tpu.memory_space<hbm>>) target(%dma_start3A_19 : memref<128x64xf32, #tpu.memory_space<vmem>>) offsets(%dma_start3A_22 : memref<128xi32, #tpu.memory_space<vmem>>) semaphore(%arg8 : memref<!tpu.dma_semaphore, #tpu.memory_space<semaphore_mem>>)
    %dma_start3A_26 = arith.constant 2 : i32
    %dma_start3A_27 = arith.constant 2 : i32
    %dma_start3A_28 = arith.constant 0 : i32
    %dma_start3A_29 = arith.constant 0 : i32
    %dma_start3A_30 = tpu.memref_slice %arg6[%dma_start3A_27, %dma_start3A_28, %dma_start3A_29] : memref<4x128x64xf32, #tpu.memory_space<vmem>> -> memref<1x128x64xf32, #tpu.memory_space<vmem>>
    %dma_start3A_31 = tpu.memref_squeeze %dma_start3A_30 : memref<1x128x64xf32, #tpu.memory_space<vmem>> -> memref<128x64xf32, #tpu.memory_space<vmem>>
    %dma_start3A_32 = arith.constant 0 : i32
    %dma_start3A_33 = tpu.memref_slice %arg5[%dma_start3A_26, %dma_start3A_32] : memref<200x128xi32, #tpu.memory_space<vmem>> -> memref<1x128xi32, #tpu.memory_space<vmem>>
    %dma_start3A_34 = tpu.memref_squeeze %dma_start3A_33 : memref<1x128xi32, #tpu.memory_space<vmem>> -> memref<128xi32, #tpu.memory_space<vmem>>
    %dma_start3A_35 = arith.constant 0 : i32
    %dma_start3A_36 = arith.constant 0 : i32
    %dma_start3A_37 = tpu.memref_slice %arg3[%dma_start3A_35, %dma_start3A_36] : memref<100000x64xf32, #tpu.memory_space<hbm>> -> memref<100000x64xf32, #tpu.memory_space<hbm>>
    tpu.enqueue_indirect_dma source(%dma_start3A_37 : memref<100000x64xf32, #tpu.memory_space<hbm>>) target(%dma_start3A_31 : memref<128x64xf32, #tpu.memory_space<vmem>>) offsets(%dma_start3A_34 : memref<128xi32, #tpu.memory_space<vmem>>) semaphore(%arg9 : memref<!tpu.dma_semaphore, #tpu.memory_space<semaphore_mem>>)
    %dma_wait3A = arith.constant 0 : i32
    %dma_wait3A_38 = arith.constant 0 : i32
    %dma_wait3A_39 = arith.constant 0 : i32
    %dma_wait3A_40 = arith.constant 0 : i32
    %dma_wait3A_41 = tpu.memref_slice %arg6[%dma_wait3A_38, %dma_wait3A_39, %dma_wait3A_40] : memref<4x128x64xf32, #tpu.memory_space<vmem>> -> memref<1x128x64xf32, #tpu.memory_space<vmem>>
    %dma_wait3A_42 = tpu.memref_squeeze %dma_wait3A_41 : memref<1x128x64xf32, #tpu.memory_space<vmem>> -> memref<128x64xf32, #tpu.memory_space<vmem>>
    %dma_wait3A_43 = arith.constant 0 : i32
    %dma_wait3A_44 = tpu.memref_slice %arg5[%dma_wait3A, %dma_wait3A_43] : memref<200x128xi32, #tpu.memory_space<vmem>> -> memref<1x128xi32, #tpu.memory_space<vmem>>
    %dma_wait3A_45 = tpu.memref_squeeze %dma_wait3A_44 : memref<1x128xi32, #tpu.memory_space<vmem>> -> memref<128xi32, #tpu.memory_space<vmem>>
    %dma_wait3A_46 = arith.constant 0 : i32
    %dma_wait3A_47 = arith.constant 0 : i32
    %dma_wait3A_48 = tpu.memref_slice %arg3[%dma_wait3A_46, %dma_wait3A_47] : memref<100000x64xf32, #tpu.memory_space<hbm>> -> memref<100000x64xf32, #tpu.memory_space<hbm>>
    tpu.wait_indirect_dma semaphore(%arg7 : memref<!tpu.dma_semaphore, #tpu.memory_space<semaphore_mem>>) src(%dma_wait3A_48 : memref<100000x64xf32, #tpu.memory_space<hbm>>) dst(%dma_wait3A_42 : memref<128x64xf32, #tpu.memory_space<vmem>>)
    %add3A_49 = arith.constant 0 : i32
    %add3A_50 = arith.addi %mul3A_2, %add3A_49 : i32
    %dma_start3A_51 = arith.constant 0 : i32
    %dma_start3A_52 = arith.constant 0 : i32
    %dma_start3A_53 = arith.constant 0 : i32
    %dma_start3A_54 = tpu.memref_slice %arg6[%dma_start3A_51, %dma_start3A_52, %dma_start3A_53] : memref<4x128x64xf32, #tpu.memory_space<vmem>> -> memref<1x128x64xf32, #tpu.memory_space<vmem>>
    %dma_start3A_55 = tpu.memref_squeeze %dma_start3A_54 : memref<1x128x64xf32, #tpu.memory_space<vmem>> -> memref<128x64xf32, #tpu.memory_space<vmem>>
    %dma_start3A_56 = arith.constant 0 : i32
    %dma_start3A_57 = tpu.memref_slice %arg4[%add3A_50, %dma_start3A_56] : memref<819200x64xf32, #tpu.memory_space<hbm>> -> memref<128x64xf32, #tpu.memory_space<hbm>>
    %dma_start3A_58 = arith.constant 0 : i32
    %dma_start3A_59 = tpu.memref_slice %arg4[%add3A_50, %dma_start3A_58] : memref<819200x64xf32, #tpu.memory_space<hbm>> -> memref<128x64xf32, #tpu.memory_space<hbm>>
    %dma_start3A_60 = arith.constant 0 : i32
    %dma_start3A_61 = arith.constant 0 : i32
    %dma_start3A_62 = tpu.memref_slice %arg6[%dma_start3A_51, %dma_start3A_60, %dma_start3A_61] : memref<4x128x64xf32, #tpu.memory_space<vmem>> -> memref<1x128x64xf32, #tpu.memory_space<vmem>>
    %dma_start3A_63 = tpu.memref_squeeze %dma_start3A_62 : memref<1x128x64xf32, #tpu.memory_space<vmem>> -> memref<128x64xf32, #tpu.memory_space<vmem>>
    tpu.enqueue_dma source(%dma_start3A_63 : memref<128x64xf32, #tpu.memory_space<vmem>>) target(%dma_start3A_59 : memref<128x64xf32, #tpu.memory_space<hbm>>) target_semaphore(%arg11 : memref<!tpu.dma_semaphore, #tpu.memory_space<semaphore_mem>>)
    %dma_start3A_64 = arith.constant 3 : i32
    %dma_start3A_65 = arith.constant 3 : i32
    %dma_start3A_66 = arith.constant 0 : i32
    %dma_start3A_67 = arith.constant 0 : i32
    %dma_start3A_68 = tpu.memref_slice %arg6[%dma_start3A_65, %dma_start3A_66, %dma_start3A_67] : memref<4x128x64xf32, #tpu.memory_space<vmem>> -> memref<1x128x64xf32, #tpu.memory_space<vmem>>
    %dma_start3A_69 = tpu.memref_squeeze %dma_start3A_68 : memref<1x128x64xf32, #tpu.memory_space<vmem>> -> memref<128x64xf32, #tpu.memory_space<vmem>>
    %dma_start3A_70 = arith.constant 0 : i32
    %dma_start3A_71 = tpu.memref_slice %arg5[%dma_start3A_64, %dma_start3A_70] : memref<200x128xi32, #tpu.memory_space<vmem>> -> memref<1x128xi32, #tpu.memory_space<vmem>>
    %dma_start3A_72 = tpu.memref_squeeze %dma_start3A_71 : memref<1x128xi32, #tpu.memory_space<vmem>> -> memref<128xi32, #tpu.memory_space<vmem>>
    %dma_start3A_73 = arith.constant 0 : i32
    %dma_start3A_74 = arith.constant 0 : i32
    %dma_start3A_75 = tpu.memref_slice %arg3[%dma_start3A_73, %dma_start3A_74] : memref<100000x64xf32, #tpu.memory_space<hbm>> -> memref<100000x64xf32, #tpu.memory_space<hbm>>
    tpu.enqueue_indirect_dma source(%dma_start3A_75 : memref<100000x64xf32, #tpu.memory_space<hbm>>) target(%dma_start3A_69 : memref<128x64xf32, #tpu.memory_space<vmem>>) offsets(%dma_start3A_72 : memref<128xi32, #tpu.memory_space<vmem>>) semaphore(%arg10 : memref<!tpu.dma_semaphore, #tpu.memory_space<semaphore_mem>>)
    %dma_wait3A_76 = arith.constant 1 : i32
    %dma_wait3A_77 = arith.constant 1 : i32
    %dma_wait3A_78 = arith.constant 0 : i32
    %dma_wait3A_79 = arith.constant 0 : i32
    %dma_wait3A_80 = tpu.memref_slice %arg6[%dma_wait3A_77, %dma_wait3A_78, %dma_wait3A_79] : memref<4x128x64xf32, #tpu.memory_space<vmem>> -> memref<1x128x64xf32, #tpu.memory_space<vmem>>
    %dma_wait3A_81 = tpu.memref_squeeze %dma_wait3A_80 : memref<1x128x64xf32, #tpu.memory_space<vmem>> -> memref<128x64xf32, #tpu.memory_space<vmem>>
    %dma_wait3A_82 = arith.constant 0 : i32
    %dma_wait3A_83 = tpu.memref_slice %arg5[%dma_wait3A_76, %dma_wait3A_82] : memref<200x128xi32, #tpu.memory_space<vmem>> -> memref<1x128xi32, #tpu.memory_space<vmem>>
    %dma_wait3A_84 = tpu.memref_squeeze %dma_wait3A_83 : memref<1x128xi32, #tpu.memory_space<vmem>> -> memref<128xi32, #tpu.memory_space<vmem>>
    %dma_wait3A_85 = arith.constant 0 : i32
    %dma_wait3A_86 = arith.constant 0 : i32
    %dma_wait3A_87 = tpu.memref_slice %arg3[%dma_wait3A_85, %dma_wait3A_86] : memref<100000x64xf32, #tpu.memory_space<hbm>> -> memref<100000x64xf32, #tpu.memory_space<hbm>>
    tpu.wait_indirect_dma semaphore(%arg8 : memref<!tpu.dma_semaphore, #tpu.memory_space<semaphore_mem>>) src(%dma_wait3A_87 : memref<100000x64xf32, #tpu.memory_space<hbm>>) dst(%dma_wait3A_81 : memref<128x64xf32, #tpu.memory_space<vmem>>)
    %add3A_88 = arith.constant 128 : i32
    %add3A_89 = arith.addi %mul3A_2, %add3A_88 : i32
    %dma_start3A_90 = arith.constant 1 : i32
    %dma_start3A_91 = arith.constant 0 : i32
    %dma_start3A_92 = arith.constant 0 : i32
    %dma_start3A_93 = tpu.memref_slice %arg6[%dma_start3A_90, %dma_start3A_91, %dma_start3A_92] : memref<4x128x64xf32, #tpu.memory_space<vmem>> -> memref<1x128x64xf32, #tpu.memory_space<vmem>>
    %dma_start3A_94 = tpu.memref_squeeze %dma_start3A_93 : memref<1x128x64xf32, #tpu.memory_space<vmem>> -> memref<128x64xf32, #tpu.memory_space<vmem>>
    %dma_start3A_95 = arith.constant 0 : i32
    %dma_start3A_96 = tpu.memref_slice %arg4[%add3A_89, %dma_start3A_95] : memref<819200x64xf32, #tpu.memory_space<hbm>> -> memref<128x64xf32, #tpu.memory_space<hbm>>
    %dma_start3A_97 = arith.constant 0 : i32
    %dma_start3A_98 = tpu.memref_slice %arg4[%add3A_89, %dma_start3A_97] : memref<819200x64xf32, #tpu.memory_space<hbm>> -> memref<128x64xf32, #tpu.memory_space<hbm>>
    %dma_start3A_99 = arith.constant 0 : i32
    %dma_start3A_100 = arith.constant 0 : i32
    %dma_start3A_101 = tpu.memref_slice %arg6[%dma_start3A_90, %dma_start3A_99, %dma_start3A_100] : memref<4x128x64xf32, #tpu.memory_space<vmem>> -> memref<1x128x64xf32, #tpu.memory_space<vmem>>
    %dma_start3A_102 = tpu.memref_squeeze %dma_start3A_101 : memref<1x128x64xf32, #tpu.memory_space<vmem>> -> memref<128x64xf32, #tpu.memory_space<vmem>>
    tpu.enqueue_dma source(%dma_start3A_102 : memref<128x64xf32, #tpu.memory_space<vmem>>) target(%dma_start3A_98 : memref<128x64xf32, #tpu.memory_space<hbm>>) target_semaphore(%arg12 : memref<!tpu.dma_semaphore, #tpu.memory_space<semaphore_mem>>)
    %add3A_103 = arith.constant 0 : i32
    %add3A_104 = arith.addi %mul3A_2, %add3A_103 : i32
    %dma_wait3A_105 = arith.constant 0 : i32
    %dma_wait3A_106 = arith.constant 0 : i32
    %dma_wait3A_107 = arith.constant 0 : i32
    %dma_wait3A_108 = tpu.memref_slice %arg6[%dma_wait3A_105, %dma_wait3A_106, %dma_wait3A_107] : memref<4x128x64xf32, #tpu.memory_space<vmem>> -> memref<1x128x64xf32, #tpu.memory_space<vmem>>
    %dma_wait3A_109 = tpu.memref_squeeze %dma_wait3A_108 : memref<1x128x64xf32, #tpu.memory_space<vmem>> -> memref<128x64xf32, #tpu.memory_space<vmem>>
    %dma_wait3A_110 = arith.constant 0 : i32
    %dma_wait3A_111 = tpu.memref_slice %arg4[%add3A_104, %dma_wait3A_110] : memref<819200x64xf32, #tpu.memory_space<hbm>> -> memref<128x64xf32, #tpu.memory_space<hbm>>
    %dma_wait3A_112 = arith.constant 0 : i32
    %dma_wait3A_113 = tpu.memref_slice %arg4[%add3A_104, %dma_wait3A_112] : memref<819200x64xf32, #tpu.memory_space<hbm>> -> memref<128x64xf32, #tpu.memory_space<hbm>>
    %dma_wait3A_114 = arith.constant 0 : i32
    %dma_wait3A_115 = arith.constant 0 : i32
    %dma_wait3A_116 = tpu.memref_slice %arg6[%dma_wait3A_105, %dma_wait3A_114, %dma_wait3A_115] : memref<4x128x64xf32, #tpu.memory_space<vmem>> -> memref<1x128x64xf32, #tpu.memory_space<vmem>>
    %dma_wait3A_117 = tpu.memref_squeeze %dma_wait3A_116 : memref<1x128x64xf32, #tpu.memory_space<vmem>> -> memref<128x64xf32, #tpu.memory_space<vmem>>
    tpu.wait_dma2 semaphore(%arg11 : memref<!tpu.dma_semaphore, #tpu.memory_space<semaphore_mem>>) src(%dma_wait3A_117 : memref<128x64xf32, #tpu.memory_space<vmem>>) dst(%dma_wait3A_113 : memref<128x64xf32, #tpu.memory_space<hbm>>)
    %dma_start3A_118 = arith.constant 4 : i32
    %dma_start3A_119 = arith.constant 0 : i32
    %dma_start3A_120 = arith.constant 0 : i32
    %dma_start3A_121 = arith.constant 0 : i32
    %dma_start3A_122 = tpu.memref_slice %arg6[%dma_start3A_119, %dma_start3A_120, %dma_start3A_121] : memref<4x128x64xf32, #tpu.memory_space<vmem>> -> memref<1x128x64xf32, #tpu.memory_space<vmem>>
    %dma_start3A_123 = tpu.memref_squeeze %dma_start3A_122 : memref<1x128x64xf32, #tpu.memory_space<vmem>> -> memref<128x64xf32, #tpu.memory_space<vmem>>
    %dma_start3A_124 = arith.constant 0 : i32
    %dma_start3A_125 = tpu.memref_slice %arg5[%dma_start3A_118, %dma_start3A_124] : memref<200x128xi32, #tpu.memory_space<vmem>> -> memref<1x128xi32, #tpu.memory_space<vmem>>
    %dma_start3A_126 = tpu.memref_squeeze %dma_start3A_125 : memref<1x128xi32, #tpu.memory_space<vmem>> -> memref<128xi32, #tpu.memory_space<vmem>>
    %dma_start3A_127 = arith.constant 0 : i32
    %dma_start3A_128 = arith.constant 0 : i32
    %dma_start3A_129 = tpu.memref_slice %arg3[%dma_start3A_127, %dma_start3A_128] : memref<100000x64xf32, #tpu.memory_space<hbm>> -> memref<100000x64xf32, #tpu.memory_space<hbm>>
    tpu.enqueue_indirect_dma source(%dma_start3A_129 : memref<100000x64xf32, #tpu.memory_space<hbm>>) target(%dma_start3A_123 : memref<128x64xf32, #tpu.memory_space<vmem>>) offsets(%dma_start3A_126 : memref<128xi32, #tpu.memory_space<vmem>>) semaphore(%arg7 : memref<!tpu.dma_semaphore, #tpu.memory_space<semaphore_mem>>)
    %dma_wait3A_130 = arith.constant 2 : i32
    %dma_wait3A_131 = arith.constant 2 : i32
    %dma_wait3A_132 = arith.constant 0 : i32
    %dma_wait3A_133 = arith.constant 0 : i32
    %dma_wait3A_134 = tpu.memref_slice %arg6[%dma_wait3A_131, %dma_wait3A_132, %dma_wait3A_133] : memref<4x128x64xf32, #tpu.memory_space<vmem>> -> memref<1x128x64xf32, #tpu.memory_space<vmem>>
    %dma_wait3A_135 = tpu.memref_squeeze %dma_wait3A_134 : memref<1x128x64xf32, #tpu.memory_space<vmem>> -> memref<128x64xf32, #tpu.memory_space<vmem>>
    %dma_wait3A_136 = arith.constant 0 : i32
    %dma_wait3A_137 = tpu.memref_slice %arg5[%dma_wait3A_130, %dma_wait3A_136] : memref<200x128xi32, #tpu.memory_space<vmem>> -> memref<1x128xi32, #tpu.memory_space<vmem>>
    %dma_wait3A_138 = tpu.memref_squeeze %dma_wait3A_137 : memref<1x128xi32, #tpu.memory_space<vmem>> -> memref<128xi32, #tpu.memory_space<vmem>>
    %dma_wait3A_139 = arith.constant 0 : i32
    %dma_wait3A_140 = arith.constant 0 : i32
    %dma_wait3A_141 = tpu.memref_slice %arg3[%dma_wait3A_139, %dma_wait3A_140] : memref<100000x64xf32, #tpu.memory_space<hbm>> -> memref<100000x64xf32, #tpu.memory_space<hbm>>
    tpu.wait_indirect_dma semaphore(%arg9 : memref<!tpu.dma_semaphore, #tpu.memory_space<semaphore_mem>>) src(%dma_wait3A_141 : memref<100000x64xf32, #tpu.memory_space<hbm>>) dst(%dma_wait3A_135 : memref<128x64xf32, #tpu.memory_space<vmem>>)
    %add3A_142 = arith.constant 256 : i32
    %add3A_143 = arith.addi %mul3A_2, %add3A_142 : i32
    %dma_start3A_144 = arith.constant 2 : i32
    %dma_start3A_145 = arith.constant 0 : i32
    %dma_start3A_146 = arith.constant 0 : i32
    %dma_start3A_147 = tpu.memref_slice %arg6[%dma_start3A_144, %dma_start3A_145, %dma_start3A_146] : memref<4x128x64xf32, #tpu.memory_space<vmem>> -> memref<1x128x64xf32, #tpu.memory_space<vmem>>
    %dma_start3A_148 = tpu.memref_squeeze %dma_start3A_147 : memref<1x128x64xf32, #tpu.memory_space<vmem>> -> memref<128x64xf32, #tpu.memory_space<vmem>>
    %dma_start3A_149 = arith.constant 0 : i32
    %dma_start3A_150 = tpu.memref_slice %arg4[%add3A_143, %dma_start3A_149] : memref<819200x64xf32, #tpu.memory_space<hbm>> -> memref<128x64xf32, #tpu.memory_space<hbm>>
    %dma_start3A_151 = arith.constant 0 : i32
    %dma_start3A_152 = tpu.memref_slice %arg4[%add3A_143, %dma_start3A_151] : memref<819200x64xf32, #tpu.memory_space<hbm>> -> memref<128x64xf32, #tpu.memory_space<hbm>>
    %dma_start3A_153 = arith.constant 0 : i32
    %dma_start3A_154 = arith.constant 0 : i32
    %dma_start3A_155 = tpu.memref_slice %arg6[%dma_start3A_144, %dma_start3A_153, %dma_start3A_154] : memref<4x128x64xf32, #tpu.memory_space<vmem>> -> memref<1x128x64xf32, #tpu.memory_space<vmem>>
    %dma_start3A_156 = tpu.memref_squeeze %dma_start3A_155 : memref<1x128x64xf32, #tpu.memory_space<vmem>> -> memref<128x64xf32, #tpu.memory_space<vmem>>
    tpu.enqueue_dma source(%dma_start3A_156 : memref<128x64xf32, #tpu.memory_space<vmem>>) target(%dma_start3A_152 : memref<128x64xf32, #tpu.memory_space<hbm>>) target_semaphore(%arg13 : memref<!tpu.dma_semaphore, #tpu.memory_space<semaphore_mem>>)
    %add3A_157 = arith.constant 128 : i32
    %add3A_158 = arith.addi %mul3A_2, %add3A_157 : i32
    %dma_wait3A_159 = arith.constant 1 : i32
    %dma_wait3A_160 = arith.constant 0 : i32
    %dma_wait3A_161 = arith.constant 0 : i32
    %dma_wait3A_162 = tpu.memref_slice %arg6[%dma_wait3A_159, %dma_wait3A_160, %dma_wait3A_161] : memref<4x128x64xf32, #tpu.memory_space<vmem>> -> memref<1x128x64xf32, #tpu.memory_space<vmem>>
    %dma_wait3A_163 = tpu.memref_squeeze %dma_wait3A_162 : memref<1x128x64xf32, #tpu.memory_space<vmem>> -> memref<128x64xf32, #tpu.memory_space<vmem>>
    %dma_wait3A_164 = arith.constant 0 : i32
    %dma_wait3A_165 = tpu.memref_slice %arg4[%add3A_158, %dma_wait3A_164] : memref<819200x64xf32, #tpu.memory_space<hbm>> -> memref<128x64xf32, #tpu.memory_space<hbm>>
    %dma_wait3A_166 = arith.constant 0 : i32
    %dma_wait3A_167 = tpu.memref_slice %arg4[%add3A_158, %dma_wait3A_166] : memref<819200x64xf32, #tpu.memory_space<hbm>> -> memref<128x64xf32, #tpu.memory_space<hbm>>
    %dma_wait3A_168 = arith.constant 0 : i32
    %dma_wait3A_169 = arith.constant 0 : i32
    %dma_wait3A_170 = tpu.memref_slice %arg6[%dma_wait3A_159, %dma_wait3A_168, %dma_wait3A_169] : memref<4x128x64xf32, #tpu.memory_space<vmem>> -> memref<1x128x64xf32, #tpu.memory_space<vmem>>
    %dma_wait3A_171 = tpu.memref_squeeze %dma_wait3A_170 : memref<1x128x64xf32, #tpu.memory_space<vmem>> -> memref<128x64xf32, #tpu.memory_space<vmem>>
    tpu.wait_dma2 semaphore(%arg12 : memref<!tpu.dma_semaphore, #tpu.memory_space<semaphore_mem>>) src(%dma_wait3A_171 : memref<128x64xf32, #tpu.memory_space<vmem>>) dst(%dma_wait3A_167 : memref<128x64xf32, #tpu.memory_space<hbm>>)
    %dma_start3A_172 = arith.constant 5 : i32
    %dma_start3A_173 = arith.constant 1 : i32
    %dma_start3A_174 = arith.constant 0 : i32
    %dma_start3A_175 = arith.constant 0 : i32
    %dma_start3A_176 = tpu.memref_slice %arg6[%dma_start3A_173, %dma_start3A_174, %dma_start3A_175] : memref<4x128x64xf32, #tpu.memory_space<vmem>> -> memref<1x128x64xf32, #tpu.memory_space<vmem>>
    %dma_start3A_177 = tpu.memref_squeeze %dma_start3A_176 : memref<1x128x64xf32, #tpu.memory_space<vmem>> -> memref<128x64xf32, #tpu.memory_space<vmem>>
    %dma_start3A_178 = arith.constant 0 : i32
    %dma_start3A_179 = tpu.memref_slice %arg5[%dma_start3A_172, %dma_start3A_178] : memref<200x128xi32, #tpu.memory_space<vmem>> -> memref<1x128xi32, #tpu.memory_space<vmem>>
    %dma_start3A_180 = tpu.memref_squeeze %dma_start3A_179 : memref<1x128xi32, #tpu.memory_space<vmem>> -> memref<128xi32, #tpu.memory_space<vmem>>
    %dma_start3A_181 = arith.constant 0 : i32
    %dma_start3A_182 = arith.constant 0 : i32
    %dma_start3A_183 = tpu.memref_slice %arg3[%dma_start3A_181, %dma_start3A_182] : memref<100000x64xf32, #tpu.memory_space<hbm>> -> memref<100000x64xf32, #tpu.memory_space<hbm>>
    tpu.enqueue_indirect_dma source(%dma_start3A_183 : memref<100000x64xf32, #tpu.memory_space<hbm>>) target(%dma_start3A_177 : memref<128x64xf32, #tpu.memory_space<vmem>>) offsets(%dma_start3A_180 : memref<128xi32, #tpu.memory_space<vmem>>) semaphore(%arg8 : memref<!tpu.dma_semaphore, #tpu.memory_space<semaphore_mem>>)
    %dma_wait3A_184 = arith.constant 3 : i32
    %dma_wait3A_185 = arith.constant 3 : i32
    %dma_wait3A_186 = arith.constant 0 : i32
    %dma_wait3A_187 = arith.constant 0 : i32
    %dma_wait3A_188 = tpu.memref_slice %arg6[%dma_wait3A_185, %dma_wait3A_186, %dma_wait3A_187] : memref<4x128x64xf32, #tpu.memory_space<vmem>> -> memref<1x128x64xf32, #tpu.memory_space<vmem>>
    %dma_wait3A_189 = tpu.memref_squeeze %dma_wait3A_188 : memref<1x128x64xf32, #tpu.memory_space<vmem>> -> memref<128x64xf32, #tpu.memory_space<vmem>>
    %dma_wait3A_190 = arith.constant 0 : i32
    %dma_wait3A_191 = tpu.memref_slice %arg5[%dma_wait3A_184, %dma_wait3A_190] : memref<200x128xi32, #tpu.memory_space<vmem>> -> memref<1x128xi32, #tpu.memory_space<vmem>>
    %dma_wait3A_192 = tpu.memref_squeeze %dma_wait3A_191 : memref<1x128xi32, #tpu.memory_space<vmem>> -> memref<128xi32, #tpu.memory_space<vmem>>
    %dma_wait3A_193 = arith.constant 0 : i32
    %dma_wait3A_194 = arith.constant 0 : i32
    %dma_wait3A_195 = tpu.memref_slice %arg3[%dma_wait3A_193, %dma_wait3A_194] : memref<100000x64xf32, #tpu.memory_space<hbm>> -> memref<100000x64xf32, #tpu.memory_space<hbm>>
    tpu.wait_indirect_dma semaphore(%arg10 : memref<!tpu.dma_semaphore, #tpu.memory_space<semaphore_mem>>) src(%dma_wait3A_195 : memref<100000x64xf32, #tpu.memory_space<hbm>>) dst(%dma_wait3A_189 : memref<128x64xf32, #tpu.memory_space<vmem>>)
    %add3A_196 = arith.constant 384 : i32
    %add3A_197 = arith.addi %mul3A_2, %add3A_196 : i32
    %dma_start3A_198 = arith.constant 3 : i32
    %dma_start3A_199 = arith.constant 0 : i32
    %dma_start3A_200 = arith.constant 0 : i32
    %dma_start3A_201 = tpu.memref_slice %arg6[%dma_start3A_198, %dma_start3A_199, %dma_start3A_200] : memref<4x128x64xf32, #tpu.memory_space<vmem>> -> memref<1x128x64xf32, #tpu.memory_space<vmem>>
    %dma_start3A_202 = tpu.memref_squeeze %dma_start3A_201 : memref<1x128x64xf32, #tpu.memory_space<vmem>> -> memref<128x64xf32, #tpu.memory_space<vmem>>
    %dma_start3A_203 = arith.constant 0 : i32
    %dma_start3A_204 = tpu.memref_slice %arg4[%add3A_197, %dma_start3A_203] : memref<819200x64xf32, #tpu.memory_space<hbm>> -> memref<128x64xf32, #tpu.memory_space<hbm>>
    %dma_start3A_205 = arith.constant 0 : i32
    %dma_start3A_206 = tpu.memref_slice %arg4[%add3A_197, %dma_start3A_205] : memref<819200x64xf32, #tpu.memory_space<hbm>> -> memref<128x64xf32, #tpu.memory_space<hbm>>
    %dma_start3A_207 = arith.constant 0 : i32
    %dma_start3A_208 = arith.constant 0 : i32
    %dma_start3A_209 = tpu.memref_slice %arg6[%dma_start3A_198, %dma_start3A_207, %dma_start3A_208] : memref<4x128x64xf32, #tpu.memory_space<vmem>> -> memref<1x128x64xf32, #tpu.memory_space<vmem>>
    %dma_start3A_210 = tpu.memref_squeeze %dma_start3A_209 : memref<1x128x64xf32, #tpu.memory_space<vmem>> -> memref<128x64xf32, #tpu.memory_space<vmem>>
    tpu.enqueue_dma source(%dma_start3A_210 : memref<128x64xf32, #tpu.memory_space<vmem>>) target(%dma_start3A_206 : memref<128x64xf32, #tpu.memory_space<hbm>>) target_semaphore(%arg14 : memref<!tpu.dma_semaphore, #tpu.memory_space<semaphore_mem>>)
    %scan3A = arith.constant 0 : i32
    %scan3A_211 = arith.constant 1 : i32
    %scan3A_212 = arith.constant 48 : i32
    %scan3A_213 = arith.addi %scan3A_211, %scan3A_212 : i32
    %scan3A_214 = arith.constant 1 : i32
    scf.for %scan3A_438 = %scan3A_211 to %scan3A_213 step %scan3A_214  : i32 {
      %mul3A_439 = arith.constant 4 : i32
      %mul3A_440 = arith.muli %scan3A_438, %mul3A_439 : i32
      %add3A_441 = arith.constant 0 : i32
      %add3A_442 = arith.addi %mul3A_440, %add3A_441 : i32
      %add3A_443 = arith.constant 2 : i32
      %add3A_444 = arith.addi %add3A_442, %add3A_443 : i32
      %sub3A = arith.constant 4 : i32
      %sub3A_445 = arith.subi %add3A_444, %sub3A : i32
      %mul3A_446 = arith.constant 128 : i32
      %mul3A_447 = arith.muli %sub3A_445, %mul3A_446 : i32
      %add3A_448 = arith.addi %mul3A_2, %mul3A_447 : i32
      %dma_wait3A_449 = arith.constant 2 : i32
      %dma_wait3A_450 = arith.constant 0 : i32
      %dma_wait3A_451 = arith.constant 0 : i32
      %dma_wait3A_452 = tpu.memref_slice %arg6[%dma_wait3A_449, %dma_wait3A_450, %dma_wait3A_451] : memref<4x128x64xf32, #tpu.memory_space<vmem>> -> memref<1x128x64xf32, #tpu.memory_space<vmem>>
      %dma_wait3A_453 = tpu.memref_squeeze %dma_wait3A_452 : memref<1x128x64xf32, #tpu.memory_space<vmem>> -> memref<128x64xf32, #tpu.memory_space<vmem>>
      %dma_wait3A_454 = arith.constant 0 : i32
      %dma_wait3A_455 = tpu.memref_slice %arg4[%add3A_448, %dma_wait3A_454] : memref<819200x64xf32, #tpu.memory_space<hbm>> -> memref<128x64xf32, #tpu.memory_space<hbm>>
      %dma_wait3A_456 = arith.constant 0 : i32
      %dma_wait3A_457 = tpu.memref_slice %arg4[%add3A_448, %dma_wait3A_456] : memref<819200x64xf32, #tpu.memory_space<hbm>> -> memref<128x64xf32, #tpu.memory_space<hbm>>
      %dma_wait3A_458 = arith.constant 0 : i32
      %dma_wait3A_459 = arith.constant 0 : i32
      %dma_wait3A_460 = tpu.memref_slice %arg6[%dma_wait3A_449, %dma_wait3A_458, %dma_wait3A_459] : memref<4x128x64xf32, #tpu.memory_space<vmem>> -> memref<1x128x64xf32, #tpu.memory_space<vmem>>
      %dma_wait3A_461 = tpu.memref_squeeze %dma_wait3A_460 : memref<1x128x64xf32, #tpu.memory_space<vmem>> -> memref<128x64xf32, #tpu.memory_space<vmem>>
      tpu.wait_dma2 semaphore(%arg13 : memref<!tpu.dma_semaphore, #tpu.memory_space<semaphore_mem>>) src(%dma_wait3A_461 : memref<128x64xf32, #tpu.memory_space<vmem>>) dst(%dma_wait3A_457 : memref<128x64xf32, #tpu.memory_space<hbm>>)
      %add3A_462 = arith.constant 2 : i32
      %add3A_463 = arith.addi %add3A_442, %add3A_462 : i32
      %dma_start3A_464 = arith.constant 2 : i32
      %dma_start3A_465 = arith.constant 0 : i32
      %dma_start3A_466 = arith.constant 0 : i32
      %dma_start3A_467 = tpu.memref_slice %arg6[%dma_start3A_464, %dma_start3A_465, %dma_start3A_466] : memref<4x128x64xf32, #tpu.memory_space<vmem>> -> memref<1x128x64xf32, #tpu.memory_space<vmem>>
      %dma_start3A_468 = tpu.memref_squeeze %dma_start3A_467 : memref<1x128x64xf32, #tpu.memory_space<vmem>> -> memref<128x64xf32, #tpu.memory_space<vmem>>
      %dma_start3A_469 = arith.constant 0 : i32
      %dma_start3A_470 = tpu.memref_slice %arg5[%add3A_463, %dma_start3A_469] : memref<200x128xi32, #tpu.memory_space<vmem>> -> memref<1x128xi32, #tpu.memory_space<vmem>>
      %dma_start3A_471 = tpu.memref_squeeze %dma_start3A_470 : memref<1x128xi32, #tpu.memory_space<vmem>> -> memref<128xi32, #tpu.memory_space<vmem>>
      %dma_start3A_472 = arith.constant 0 : i32
      %dma_start3A_473 = arith.constant 0 : i32
      %dma_start3A_474 = tpu.memref_slice %arg3[%dma_start3A_472, %dma_start3A_473] : memref<100000x64xf32, #tpu.memory_space<hbm>> -> memref<100000x64xf32, #tpu.memory_space<hbm>>
      tpu.enqueue_indirect_dma source(%dma_start3A_474 : memref<100000x64xf32, #tpu.memory_space<hbm>>) target(%dma_start3A_468 : memref<128x64xf32, #tpu.memory_space<vmem>>) offsets(%dma_start3A_471 : memref<128xi32, #tpu.memory_space<vmem>>) semaphore(%arg9 : memref<!tpu.dma_semaphore, #tpu.memory_space<semaphore_mem>>)
      %dma_wait3A_475 = arith.constant 0 : i32
      %dma_wait3A_476 = arith.constant 0 : i32
      %dma_wait3A_477 = arith.constant 0 : i32
      %dma_wait3A_478 = tpu.memref_slice %arg6[%dma_wait3A_475, %dma_wait3A_476, %dma_wait3A_477] : memref<4x128x64xf32, #tpu.memory_space<vmem>> -> memref<1x128x64xf32, #tpu.memory_space<vmem>>
      %dma_wait3A_479 = tpu.memref_squeeze %dma_wait3A_478 : memref<1x128x64xf32, #tpu.memory_space<vmem>> -> memref<128x64xf32, #tpu.memory_space<vmem>>
      %dma_wait3A_480 = arith.constant 0 : i32
      %dma_wait3A_481 = tpu.memref_slice %arg5[%add3A_442, %dma_wait3A_480] : memref<200x128xi32, #tpu.memory_space<vmem>> -> memref<1x128xi32, #tpu.memory_space<vmem>>
      %dma_wait3A_482 = tpu.memref_squeeze %dma_wait3A_481 : memref<1x128xi32, #tpu.memory_space<vmem>> -> memref<128xi32, #tpu.memory_space<vmem>>
      %dma_wait3A_483 = arith.constant 0 : i32
      %dma_wait3A_484 = arith.constant 0 : i32
      %dma_wait3A_485 = tpu.memref_slice %arg3[%dma_wait3A_483, %dma_wait3A_484] : memref<100000x64xf32, #tpu.memory_space<hbm>> -> memref<100000x64xf32, #tpu.memory_space<hbm>>
      tpu.wait_indirect_dma semaphore(%arg7 : memref<!tpu.dma_semaphore, #tpu.memory_space<semaphore_mem>>) src(%dma_wait3A_485 : memref<100000x64xf32, #tpu.memory_space<hbm>>) dst(%dma_wait3A_479 : memref<128x64xf32, #tpu.memory_space<vmem>>)
      %mul3A_486 = arith.constant 128 : i32
      %mul3A_487 = arith.muli %add3A_442, %mul3A_486 : i32
      %add3A_488 = arith.addi %mul3A_2, %mul3A_487 : i32
      %dma_start3A_489 = arith.constant 0 : i32
      %dma_start3A_490 = arith.constant 0 : i32
      %dma_start3A_491 = arith.constant 0 : i32
      %dma_start3A_492 = tpu.memref_slice %arg6[%dma_start3A_489, %dma_start3A_490, %dma_start3A_491] : memref<4x128x64xf32, #tpu.memory_space<vmem>> -> memref<1x128x64xf32, #tpu.memory_space<vmem>>
      %dma_start3A_493 = tpu.memref_squeeze %dma_start3A_492 : memref<1x128x64xf32, #tpu.memory_space<vmem>> -> memref<128x64xf32, #tpu.memory_space<vmem>>
      %dma_start3A_494 = arith.constant 0 : i32
      %dma_start3A_495 = tpu.memref_slice %arg4[%add3A_488, %dma_start3A_494] : memref<819200x64xf32, #tpu.memory_space<hbm>> -> memref<128x64xf32, #tpu.memory_space<hbm>>
      %dma_start3A_496 = arith.constant 0 : i32
      %dma_start3A_497 = tpu.memref_slice %arg4[%add3A_488, %dma_start3A_496] : memref<819200x64xf32, #tpu.memory_space<hbm>> -> memref<128x64xf32, #tpu.memory_space<hbm>>
      %dma_start3A_498 = arith.constant 0 : i32
      %dma_start3A_499 = arith.constant 0 : i32
      %dma_start3A_500 = tpu.memref_slice %arg6[%dma_start3A_489, %dma_start3A_498, %dma_start3A_499] : memref<4x128x64xf32, #tpu.memory_space<vmem>> -> memref<1x128x64xf32, #tpu.memory_space<vmem>>
      %dma_start3A_501 = tpu.memref_squeeze %dma_start3A_500 : memref<1x128x64xf32, #tpu.memory_space<vmem>> -> memref<128x64xf32, #tpu.memory_space<vmem>>
      tpu.enqueue_dma source(%dma_start3A_501 : memref<128x64xf32, #tpu.memory_space<vmem>>) target(%dma_start3A_497 : memref<128x64xf32, #tpu.memory_space<hbm>>) target_semaphore(%arg11 : memref<!tpu.dma_semaphore, #tpu.memory_space<semaphore_mem>>)
      %mul3A_502 = arith.constant 4 : i32
      %mul3A_503 = arith.muli %scan3A_438, %mul3A_502 : i32
      %add3A_504 = arith.constant 1 : i32
      %add3A_505 = arith.addi %mul3A_503, %add3A_504 : i32
      %add3A_506 = arith.constant 2 : i32
      %add3A_507 = arith.addi %add3A_505, %add3A_506 : i32
      %sub3A_508 = arith.constant 4 : i32
      %sub3A_509 = arith.subi %add3A_507, %sub3A_508 : i32
      %mul3A_510 = arith.constant 128 : i32
      %mul3A_511 = arith.muli %sub3A_509, %mul3A_510 : i32
      %add3A_512 = arith.addi %mul3A_2, %mul3A_511 : i32
      %dma_wait3A_513 = arith.constant 3 : i32
      %dma_wait3A_514 = arith.constant 0 : i32
      %dma_wait3A_515 = arith.constant 0 : i32
      %dma_wait3A_516 = tpu.memref_slice %arg6[%dma_wait3A_513, %dma_wait3A_514, %dma_wait3A_515] : memref<4x128x64xf32, #tpu.memory_space<vmem>> -> memref<1x128x64xf32, #tpu.memory_space<vmem>>
      %dma_wait3A_517 = tpu.memref_squeeze %dma_wait3A_516 : memref<1x128x64xf32, #tpu.memory_space<vmem>> -> memref<128x64xf32, #tpu.memory_space<vmem>>
      %dma_wait3A_518 = arith.constant 0 : i32
      %dma_wait3A_519 = tpu.memref_slice %arg4[%add3A_512, %dma_wait3A_518] : memref<819200x64xf32, #tpu.memory_space<hbm>> -> memref<128x64xf32, #tpu.memory_space<hbm>>
      %dma_wait3A_520 = arith.constant 0 : i32
      %dma_wait3A_521 = tpu.memref_slice %arg4[%add3A_512, %dma_wait3A_520] : memref<819200x64xf32, #tpu.memory_space<hbm>> -> memref<128x64xf32, #tpu.memory_space<hbm>>
      %dma_wait3A_522 = arith.constant 0 : i32
      %dma_wait3A_523 = arith.constant 0 : i32
      %dma_wait3A_524 = tpu.memref_slice %arg6[%dma_wait3A_513, %dma_wait3A_522, %dma_wait3A_523] : memref<4x128x64xf32, #tpu.memory_space<vmem>> -> memref<1x128x64xf32, #tpu.memory_space<vmem>>
      %dma_wait3A_525 = tpu.memref_squeeze %dma_wait3A_524 : memref<1x128x64xf32, #tpu.memory_space<vmem>> -> memref<128x64xf32, #tpu.memory_space<vmem>>
      tpu.wait_dma2 semaphore(%arg14 : memref<!tpu.dma_semaphore, #tpu.memory_space<semaphore_mem>>) src(%dma_wait3A_525 : memref<128x64xf32, #tpu.memory_space<vmem>>) dst(%dma_wait3A_521 : memref<128x64xf32, #tpu.memory_space<hbm>>)
      %add3A_526 = arith.constant 2 : i32
      %add3A_527 = arith.addi %add3A_505, %add3A_526 : i32
      %dma_start3A_528 = arith.constant 3 : i32
      %dma_start3A_529 = arith.constant 0 : i32
      %dma_start3A_530 = arith.constant 0 : i32
      %dma_start3A_531 = tpu.memref_slice %arg6[%dma_start3A_528, %dma_start3A_529, %dma_start3A_530] : memref<4x128x64xf32, #tpu.memory_space<vmem>> -> memref<1x128x64xf32, #tpu.memory_space<vmem>>
      %dma_start3A_532 = tpu.memref_squeeze %dma_start3A_531 : memref<1x128x64xf32, #tpu.memory_space<vmem>> -> memref<128x64xf32, #tpu.memory_space<vmem>>
      %dma_start3A_533 = arith.constant 0 : i32
      %dma_start3A_534 = tpu.memref_slice %arg5[%add3A_527, %dma_start3A_533] : memref<200x128xi32, #tpu.memory_space<vmem>> -> memref<1x128xi32, #tpu.memory_space<vmem>>
      %dma_start3A_535 = tpu.memref_squeeze %dma_start3A_534 : memref<1x128xi32, #tpu.memory_space<vmem>> -> memref<128xi32, #tpu.memory_space<vmem>>
      %dma_start3A_536 = arith.constant 0 : i32
      %dma_start3A_537 = arith.constant 0 : i32
      %dma_start3A_538 = tpu.memref_slice %arg3[%dma_start3A_536, %dma_start3A_537] : memref<100000x64xf32, #tpu.memory_space<hbm>> -> memref<100000x64xf32, #tpu.memory_space<hbm>>
      tpu.enqueue_indirect_dma source(%dma_start3A_538 : memref<100000x64xf32, #tpu.memory_space<hbm>>) target(%dma_start3A_532 : memref<128x64xf32, #tpu.memory_space<vmem>>) offsets(%dma_start3A_535 : memref<128xi32, #tpu.memory_space<vmem>>) semaphore(%arg10 : memref<!tpu.dma_semaphore, #tpu.memory_space<semaphore_mem>>)
      %dma_wait3A_539 = arith.constant 1 : i32
      %dma_wait3A_540 = arith.constant 0 : i32
      %dma_wait3A_541 = arith.constant 0 : i32
      %dma_wait3A_542 = tpu.memref_slice %arg6[%dma_wait3A_539, %dma_wait3A_540, %dma_wait3A_541] : memref<4x128x64xf32, #tpu.memory_space<vmem>> -> memref<1x128x64xf32, #tpu.memory_space<vmem>>
      %dma_wait3A_543 = tpu.memref_squeeze %dma_wait3A_542 : memref<1x128x64xf32, #tpu.memory_space<vmem>> -> memref<128x64xf32, #tpu.memory_space<vmem>>
      %dma_wait3A_544 = arith.constant 0 : i32
      %dma_wait3A_545 = tpu.memref_slice %arg5[%add3A_505, %dma_wait3A_544] : memref<200x128xi32, #tpu.memory_space<vmem>> -> memref<1x128xi32, #tpu.memory_space<vmem>>
      %dma_wait3A_546 = tpu.memref_squeeze %dma_wait3A_545 : memref<1x128xi32, #tpu.memory_space<vmem>> -> memref<128xi32, #tpu.memory_space<vmem>>
      %dma_wait3A_547 = arith.constant 0 : i32
      %dma_wait3A_548 = arith.constant 0 : i32
      %dma_wait3A_549 = tpu.memref_slice %arg3[%dma_wait3A_547, %dma_wait3A_548] : memref<100000x64xf32, #tpu.memory_space<hbm>> -> memref<100000x64xf32, #tpu.memory_space<hbm>>
      tpu.wait_indirect_dma semaphore(%arg8 : memref<!tpu.dma_semaphore, #tpu.memory_space<semaphore_mem>>) src(%dma_wait3A_549 : memref<100000x64xf32, #tpu.memory_space<hbm>>) dst(%dma_wait3A_543 : memref<128x64xf32, #tpu.memory_space<vmem>>)
      %mul3A_550 = arith.constant 128 : i32
      %mul3A_551 = arith.muli %add3A_505, %mul3A_550 : i32
      %add3A_552 = arith.addi %mul3A_2, %mul3A_551 : i32
      %dma_start3A_553 = arith.constant 1 : i32
      %dma_start3A_554 = arith.constant 0 : i32
      %dma_start3A_555 = arith.constant 0 : i32
      %dma_start3A_556 = tpu.memref_slice %arg6[%dma_start3A_553, %dma_start3A_554, %dma_start3A_555] : memref<4x128x64xf32, #tpu.memory_space<vmem>> -> memref<1x128x64xf32, #tpu.memory_space<vmem>>
      %dma_start3A_557 = tpu.memref_squeeze %dma_start3A_556 : memref<1x128x64xf32, #tpu.memory_space<vmem>> -> memref<128x64xf32, #tpu.memory_space<vmem>>
      %dma_start3A_558 = arith.constant 0 : i32
      %dma_start3A_559 = tpu.memref_slice %arg4[%add3A_552, %dma_start3A_558] : memref<819200x64xf32, #tpu.memory_space<hbm>> -> memref<128x64xf32, #tpu.memory_space<hbm>>
      %dma_start3A_560 = arith.constant 0 : i32
      %dma_start3A_561 = tpu.memref_slice %arg4[%add3A_552, %dma_start3A_560] : memref<819200x64xf32, #tpu.memory_space<hbm>> -> memref<128x64xf32, #tpu.memory_space<hbm>>
      %dma_start3A_562 = arith.constant 0 : i32
      %dma_start3A_563 = arith.constant 0 : i32
      %dma_start3A_564 = tpu.memref_slice %arg6[%dma_start3A_553, %dma_start3A_562, %dma_start3A_563] : memref<4x128x64xf32, #tpu.memory_space<vmem>> -> memref<1x128x64xf32, #tpu.memory_space<vmem>>
      %dma_start3A_565 = tpu.memref_squeeze %dma_start3A_564 : memref<1x128x64xf32, #tpu.memory_space<vmem>> -> memref<128x64xf32, #tpu.memory_space<vmem>>
      tpu.enqueue_dma source(%dma_start3A_565 : memref<128x64xf32, #tpu.memory_space<vmem>>) target(%dma_start3A_561 : memref<128x64xf32, #tpu.memory_space<hbm>>) target_semaphore(%arg12 : memref<!tpu.dma_semaphore, #tpu.memory_space<semaphore_mem>>)
      %mul3A_566 = arith.constant 4 : i32
      %mul3A_567 = arith.muli %scan3A_438, %mul3A_566 : i32
      %add3A_568 = arith.constant 2 : i32
      %add3A_569 = arith.addi %mul3A_567, %add3A_568 : i32
      %add3A_570 = arith.constant 2 : i32
      %add3A_571 = arith.addi %add3A_569, %add3A_570 : i32
      %sub3A_572 = arith.constant 4 : i32
      %sub3A_573 = arith.subi %add3A_571, %sub3A_572 : i32
      %mul3A_574 = arith.constant 128 : i32
      %mul3A_575 = arith.muli %sub3A_573, %mul3A_574 : i32
      %add3A_576 = arith.addi %mul3A_2, %mul3A_575 : i32
      %dma_wait3A_577 = arith.constant 0 : i32
      %dma_wait3A_578 = arith.constant 0 : i32
      %dma_wait3A_579 = arith.constant 0 : i32
      %dma_wait3A_580 = tpu.memref_slice %arg6[%dma_wait3A_577, %dma_wait3A_578, %dma_wait3A_579] : memref<4x128x64xf32, #tpu.memory_space<vmem>> -> memref<1x128x64xf32, #tpu.memory_space<vmem>>
      %dma_wait3A_581 = tpu.memref_squeeze %dma_wait3A_580 : memref<1x128x64xf32, #tpu.memory_space<vmem>> -> memref<128x64xf32, #tpu.memory_space<vmem>>
      %dma_wait3A_582 = arith.constant 0 : i32
      %dma_wait3A_583 = tpu.memref_slice %arg4[%add3A_576, %dma_wait3A_582] : memref<819200x64xf32, #tpu.memory_space<hbm>> -> memref<128x64xf32, #tpu.memory_space<hbm>>
      %dma_wait3A_584 = arith.constant 0 : i32
      %dma_wait3A_585 = tpu.memref_slice %arg4[%add3A_576, %dma_wait3A_584] : memref<819200x64xf32, #tpu.memory_space<hbm>> -> memref<128x64xf32, #tpu.memory_space<hbm>>
      %dma_wait3A_586 = arith.constant 0 : i32
      %dma_wait3A_587 = arith.constant 0 : i32
      %dma_wait3A_588 = tpu.memref_slice %arg6[%dma_wait3A_577, %dma_wait3A_586, %dma_wait3A_587] : memref<4x128x64xf32, #tpu.memory_space<vmem>> -> memref<1x128x64xf32, #tpu.memory_space<vmem>>
      %dma_wait3A_589 = tpu.memref_squeeze %dma_wait3A_588 : memref<1x128x64xf32, #tpu.memory_space<vmem>> -> memref<128x64xf32, #tpu.memory_space<vmem>>
      tpu.wait_dma2 semaphore(%arg11 : memref<!tpu.dma_semaphore, #tpu.memory_space<semaphore_mem>>) src(%dma_wait3A_589 : memref<128x64xf32, #tpu.memory_space<vmem>>) dst(%dma_wait3A_585 : memref<128x64xf32, #tpu.memory_space<hbm>>)
      %add3A_590 = arith.constant 2 : i32
      %add3A_591 = arith.addi %add3A_569, %add3A_590 : i32
      %dma_start3A_592 = arith.constant 0 : i32
      %dma_start3A_593 = arith.constant 0 : i32
      %dma_start3A_594 = arith.constant 0 : i32
      %dma_start3A_595 = tpu.memref_slice %arg6[%dma_start3A_592, %dma_start3A_593, %dma_start3A_594] : memref<4x128x64xf32, #tpu.memory_space<vmem>> -> memref<1x128x64xf32, #tpu.memory_space<vmem>>
      %dma_start3A_596 = tpu.memref_squeeze %dma_start3A_595 : memref<1x128x64xf32, #tpu.memory_space<vmem>> -> memref<128x64xf32, #tpu.memory_space<vmem>>
      %dma_start3A_597 = arith.constant 0 : i32
      %dma_start3A_598 = tpu.memref_slice %arg5[%add3A_591, %dma_start3A_597] : memref<200x128xi32, #tpu.memory_space<vmem>> -> memref<1x128xi32, #tpu.memory_space<vmem>>
      %dma_start3A_599 = tpu.memref_squeeze %dma_start3A_598 : memref<1x128xi32, #tpu.memory_space<vmem>> -> memref<128xi32, #tpu.memory_space<vmem>>
      %dma_start3A_600 = arith.constant 0 : i32
      %dma_start3A_601 = arith.constant 0 : i32
      %dma_start3A_602 = tpu.memref_slice %arg3[%dma_start3A_600, %dma_start3A_601] : memref<100000x64xf32, #tpu.memory_space<hbm>> -> memref<100000x64xf32, #tpu.memory_space<hbm>>
      tpu.enqueue_indirect_dma source(%dma_start3A_602 : memref<100000x64xf32, #tpu.memory_space<hbm>>) target(%dma_start3A_596 : memref<128x64xf32, #tpu.memory_space<vmem>>) offsets(%dma_start3A_599 : memref<128xi32, #tpu.memory_space<vmem>>) semaphore(%arg7 : memref<!tpu.dma_semaphore, #tpu.memory_space<semaphore_mem>>)
      %dma_wait3A_603 = arith.constant 2 : i32
      %dma_wait3A_604 = arith.constant 0 : i32
      %dma_wait3A_605 = arith.constant 0 : i32
      %dma_wait3A_606 = tpu.memref_slice %arg6[%dma_wait3A_603, %dma_wait3A_604, %dma_wait3A_605] : memref<4x128x64xf32, #tpu.memory_space<vmem>> -> memref<1x128x64xf32, #tpu.memory_space<vmem>>
      %dma_wait3A_607 = tpu.memref_squeeze %dma_wait3A_606 : memref<1x128x64xf32, #tpu.memory_space<vmem>> -> memref<128x64xf32, #tpu.memory_space<vmem>>
      %dma_wait3A_608 = arith.constant 0 : i32
      %dma_wait3A_609 = tpu.memref_slice %arg5[%add3A_569, %dma_wait3A_608] : memref<200x128xi32, #tpu.memory_space<vmem>> -> memref<1x128xi32, #tpu.memory_space<vmem>>
      %dma_wait3A_610 = tpu.memref_squeeze %dma_wait3A_609 : memref<1x128xi32, #tpu.memory_space<vmem>> -> memref<128xi32, #tpu.memory_space<vmem>>
      %dma_wait3A_611 = arith.constant 0 : i32
      %dma_wait3A_612 = arith.constant 0 : i32
      %dma_wait3A_613 = tpu.memref_slice %arg3[%dma_wait3A_611, %dma_wait3A_612] : memref<100000x64xf32, #tpu.memory_space<hbm>> -> memref<100000x64xf32, #tpu.memory_space<hbm>>
      tpu.wait_indirect_dma semaphore(%arg9 : memref<!tpu.dma_semaphore, #tpu.memory_space<semaphore_mem>>) src(%dma_wait3A_613 : memref<100000x64xf32, #tpu.memory_space<hbm>>) dst(%dma_wait3A_607 : memref<128x64xf32, #tpu.memory_space<vmem>>)
      %mul3A_614 = arith.constant 128 : i32
      %mul3A_615 = arith.muli %add3A_569, %mul3A_614 : i32
      %add3A_616 = arith.addi %mul3A_2, %mul3A_615 : i32
      %dma_start3A_617 = arith.constant 2 : i32
      %dma_start3A_618 = arith.constant 0 : i32
      %dma_start3A_619 = arith.constant 0 : i32
      %dma_start3A_620 = tpu.memref_slice %arg6[%dma_start3A_617, %dma_start3A_618, %dma_start3A_619] : memref<4x128x64xf32, #tpu.memory_space<vmem>> -> memref<1x128x64xf32, #tpu.memory_space<vmem>>
      %dma_start3A_621 = tpu.memref_squeeze %dma_start3A_620 : memref<1x128x64xf32, #tpu.memory_space<vmem>> -> memref<128x64xf32, #tpu.memory_space<vmem>>
      %dma_start3A_622 = arith.constant 0 : i32
      %dma_start3A_623 = tpu.memref_slice %arg4[%add3A_616, %dma_start3A_622] : memref<819200x64xf32, #tpu.memory_space<hbm>> -> memref<128x64xf32, #tpu.memory_space<hbm>>
      %dma_start3A_624 = arith.constant 0 : i32
      %dma_start3A_625 = tpu.memref_slice %arg4[%add3A_616, %dma_start3A_624] : memref<819200x64xf32, #tpu.memory_space<hbm>> -> memref<128x64xf32, #tpu.memory_space<hbm>>
      %dma_start3A_626 = arith.constant 0 : i32
      %dma_start3A_627 = arith.constant 0 : i32
      %dma_start3A_628 = tpu.memref_slice %arg6[%dma_start3A_617, %dma_start3A_626, %dma_start3A_627] : memref<4x128x64xf32, #tpu.memory_space<vmem>> -> memref<1x128x64xf32, #tpu.memory_space<vmem>>
      %dma_start3A_629 = tpu.memref_squeeze %dma_start3A_628 : memref<1x128x64xf32, #tpu.memory_space<vmem>> -> memref<128x64xf32, #tpu.memory_space<vmem>>
      tpu.enqueue_dma source(%dma_start3A_629 : memref<128x64xf32, #tpu.memory_space<vmem>>) target(%dma_start3A_625 : memref<128x64xf32, #tpu.memory_space<hbm>>) target_semaphore(%arg13 : memref<!tpu.dma_semaphore, #tpu.memory_space<semaphore_mem>>)
      %mul3A_630 = arith.constant 4 : i32
      %mul3A_631 = arith.muli %scan3A_438, %mul3A_630 : i32
      %add3A_632 = arith.constant 3 : i32
      %add3A_633 = arith.addi %mul3A_631, %add3A_632 : i32
      %add3A_634 = arith.constant 2 : i32
      %add3A_635 = arith.addi %add3A_633, %add3A_634 : i32
      %sub3A_636 = arith.constant 4 : i32
      %sub3A_637 = arith.subi %add3A_635, %sub3A_636 : i32
      %mul3A_638 = arith.constant 128 : i32
      %mul3A_639 = arith.muli %sub3A_637, %mul3A_638 : i32
      %add3A_640 = arith.addi %mul3A_2, %mul3A_639 : i32
      %dma_wait3A_641 = arith.constant 1 : i32
      %dma_wait3A_642 = arith.constant 0 : i32
      %dma_wait3A_643 = arith.constant 0 : i32
      %dma_wait3A_644 = tpu.memref_slice %arg6[%dma_wait3A_641, %dma_wait3A_642, %dma_wait3A_643] : memref<4x128x64xf32, #tpu.memory_space<vmem>> -> memref<1x128x64xf32, #tpu.memory_space<vmem>>
      %dma_wait3A_645 = tpu.memref_squeeze %dma_wait3A_644 : memref<1x128x64xf32, #tpu.memory_space<vmem>> -> memref<128x64xf32, #tpu.memory_space<vmem>>
      %dma_wait3A_646 = arith.constant 0 : i32
      %dma_wait3A_647 = tpu.memref_slice %arg4[%add3A_640, %dma_wait3A_646] : memref<819200x64xf32, #tpu.memory_space<hbm>> -> memref<128x64xf32, #tpu.memory_space<hbm>>
      %dma_wait3A_648 = arith.constant 0 : i32
      %dma_wait3A_649 = tpu.memref_slice %arg4[%add3A_640, %dma_wait3A_648] : memref<819200x64xf32, #tpu.memory_space<hbm>> -> memref<128x64xf32, #tpu.memory_space<hbm>>
      %dma_wait3A_650 = arith.constant 0 : i32
      %dma_wait3A_651 = arith.constant 0 : i32
      %dma_wait3A_652 = tpu.memref_slice %arg6[%dma_wait3A_641, %dma_wait3A_650, %dma_wait3A_651] : memref<4x128x64xf32, #tpu.memory_space<vmem>> -> memref<1x128x64xf32, #tpu.memory_space<vmem>>
      %dma_wait3A_653 = tpu.memref_squeeze %dma_wait3A_652 : memref<1x128x64xf32, #tpu.memory_space<vmem>> -> memref<128x64xf32, #tpu.memory_space<vmem>>
      tpu.wait_dma2 semaphore(%arg12 : memref<!tpu.dma_semaphore, #tpu.memory_space<semaphore_mem>>) src(%dma_wait3A_653 : memref<128x64xf32, #tpu.memory_space<vmem>>) dst(%dma_wait3A_649 : memref<128x64xf32, #tpu.memory_space<hbm>>)
      %add3A_654 = arith.constant 2 : i32
      %add3A_655 = arith.addi %add3A_633, %add3A_654 : i32
      %dma_start3A_656 = arith.constant 1 : i32
      %dma_start3A_657 = arith.constant 0 : i32
      %dma_start3A_658 = arith.constant 0 : i32
      %dma_start3A_659 = tpu.memref_slice %arg6[%dma_start3A_656, %dma_start3A_657, %dma_start3A_658] : memref<4x128x64xf32, #tpu.memory_space<vmem>> -> memref<1x128x64xf32, #tpu.memory_space<vmem>>
      %dma_start3A_660 = tpu.memref_squeeze %dma_start3A_659 : memref<1x128x64xf32, #tpu.memory_space<vmem>> -> memref<128x64xf32, #tpu.memory_space<vmem>>
      %dma_start3A_661 = arith.constant 0 : i32
      %dma_start3A_662 = tpu.memref_slice %arg5[%add3A_655, %dma_start3A_661] : memref<200x128xi32, #tpu.memory_space<vmem>> -> memref<1x128xi32, #tpu.memory_space<vmem>>
      %dma_start3A_663 = tpu.memref_squeeze %dma_start3A_662 : memref<1x128xi32, #tpu.memory_space<vmem>> -> memref<128xi32, #tpu.memory_space<vmem>>
      %dma_start3A_664 = arith.constant 0 : i32
      %dma_start3A_665 = arith.constant 0 : i32
      %dma_start3A_666 = tpu.memref_slice %arg3[%dma_start3A_664, %dma_start3A_665] : memref<100000x64xf32, #tpu.memory_space<hbm>> -> memref<100000x64xf32, #tpu.memory_space<hbm>>
      tpu.enqueue_indirect_dma source(%dma_start3A_666 : memref<100000x64xf32, #tpu.memory_space<hbm>>) target(%dma_start3A_660 : memref<128x64xf32, #tpu.memory_space<vmem>>) offsets(%dma_start3A_663 : memref<128xi32, #tpu.memory_space<vmem>>) semaphore(%arg8 : memref<!tpu.dma_semaphore, #tpu.memory_space<semaphore_mem>>)
      %dma_wait3A_667 = arith.constant 3 : i32
      %dma_wait3A_668 = arith.constant 0 : i32
      %dma_wait3A_669 = arith.constant 0 : i32
      %dma_wait3A_670 = tpu.memref_slice %arg6[%dma_wait3A_667, %dma_wait3A_668, %dma_wait3A_669] : memref<4x128x64xf32, #tpu.memory_space<vmem>> -> memref<1x128x64xf32, #tpu.memory_space<vmem>>
      %dma_wait3A_671 = tpu.memref_squeeze %dma_wait3A_670 : memref<1x128x64xf32, #tpu.memory_space<vmem>> -> memref<128x64xf32, #tpu.memory_space<vmem>>
      %dma_wait3A_672 = arith.constant 0 : i32
      %dma_wait3A_673 = tpu.memref_slice %arg5[%add3A_633, %dma_wait3A_672] : memref<200x128xi32, #tpu.memory_space<vmem>> -> memref<1x128xi32, #tpu.memory_space<vmem>>
      %dma_wait3A_674 = tpu.memref_squeeze %dma_wait3A_673 : memref<1x128xi32, #tpu.memory_space<vmem>> -> memref<128xi32, #tpu.memory_space<vmem>>
      %dma_wait3A_675 = arith.constant 0 : i32
      %dma_wait3A_676 = arith.constant 0 : i32
      %dma_wait3A_677 = tpu.memref_slice %arg3[%dma_wait3A_675, %dma_wait3A_676] : memref<100000x64xf32, #tpu.memory_space<hbm>> -> memref<100000x64xf32, #tpu.memory_space<hbm>>
      tpu.wait_indirect_dma semaphore(%arg10 : memref<!tpu.dma_semaphore, #tpu.memory_space<semaphore_mem>>) src(%dma_wait3A_677 : memref<100000x64xf32, #tpu.memory_space<hbm>>) dst(%dma_wait3A_671 : memref<128x64xf32, #tpu.memory_space<vmem>>)
      %mul3A_678 = arith.constant 128 : i32
      %mul3A_679 = arith.muli %add3A_633, %mul3A_678 : i32
      %add3A_680 = arith.addi %mul3A_2, %mul3A_679 : i32
      %dma_start3A_681 = arith.constant 3 : i32
      %dma_start3A_682 = arith.constant 0 : i32
      %dma_start3A_683 = arith.constant 0 : i32
      %dma_start3A_684 = tpu.memref_slice %arg6[%dma_start3A_681, %dma_start3A_682, %dma_start3A_683] : memref<4x128x64xf32, #tpu.memory_space<vmem>> -> memref<1x128x64xf32, #tpu.memory_space<vmem>>
      %dma_start3A_685 = tpu.memref_squeeze %dma_start3A_684 : memref<1x128x64xf32, #tpu.memory_space<vmem>> -> memref<128x64xf32, #tpu.memory_space<vmem>>
      %dma_start3A_686 = arith.constant 0 : i32
      %dma_start3A_687 = tpu.memref_slice %arg4[%add3A_680, %dma_start3A_686] : memref<819200x64xf32, #tpu.memory_space<hbm>> -> memref<128x64xf32, #tpu.memory_space<hbm>>
      %dma_start3A_688 = arith.constant 0 : i32
      %dma_start3A_689 = tpu.memref_slice %arg4[%add3A_680, %dma_start3A_688] : memref<819200x64xf32, #tpu.memory_space<hbm>> -> memref<128x64xf32, #tpu.memory_space<hbm>>
      %dma_start3A_690 = arith.constant 0 : i32
      %dma_start3A_691 = arith.constant 0 : i32
      %dma_start3A_692 = tpu.memref_slice %arg6[%dma_start3A_681, %dma_start3A_690, %dma_start3A_691] : memref<4x128x64xf32, #tpu.memory_space<vmem>> -> memref<1x128x64xf32, #tpu.memory_space<vmem>>
      %dma_start3A_693 = tpu.memref_squeeze %dma_start3A_692 : memref<1x128x64xf32, #tpu.memory_space<vmem>> -> memref<128x64xf32, #tpu.memory_space<vmem>>
      tpu.enqueue_dma source(%dma_start3A_693 : memref<128x64xf32, #tpu.memory_space<vmem>>) target(%dma_start3A_689 : memref<128x64xf32, #tpu.memory_space<hbm>>) target_semaphore(%arg14 : memref<!tpu.dma_semaphore, #tpu.memory_space<semaphore_mem>>)
    }
    %scan3A_215 = arith.constant 48 : i32
    %add3A_216 = arith.constant 24832 : i32
    %add3A_217 = arith.addi %mul3A_2, %add3A_216 : i32
    %dma_wait3A_218 = arith.constant 2 : i32
    %dma_wait3A_219 = arith.constant 0 : i32
    %dma_wait3A_220 = arith.constant 0 : i32
    %dma_wait3A_221 = tpu.memref_slice %arg6[%dma_wait3A_218, %dma_wait3A_219, %dma_wait3A_220] : memref<4x128x64xf32, #tpu.memory_space<vmem>> -> memref<1x128x64xf32, #tpu.memory_space<vmem>>
    %dma_wait3A_222 = tpu.memref_squeeze %dma_wait3A_221 : memref<1x128x64xf32, #tpu.memory_space<vmem>> -> memref<128x64xf32, #tpu.memory_space<vmem>>
    %dma_wait3A_223 = arith.constant 0 : i32
    %dma_wait3A_224 = tpu.memref_slice %arg4[%add3A_217, %dma_wait3A_223] : memref<819200x64xf32, #tpu.memory_space<hbm>> -> memref<128x64xf32, #tpu.memory_space<hbm>>
    %dma_wait3A_225 = arith.constant 0 : i32
    %dma_wait3A_226 = tpu.memref_slice %arg4[%add3A_217, %dma_wait3A_225] : memref<819200x64xf32, #tpu.memory_space<hbm>> -> memref<128x64xf32, #tpu.memory_space<hbm>>
    %dma_wait3A_227 = arith.constant 0 : i32
    %dma_wait3A_228 = arith.constant 0 : i32
    %dma_wait3A_229 = tpu.memref_slice %arg6[%dma_wait3A_218, %dma_wait3A_227, %dma_wait3A_228] : memref<4x128x64xf32, #tpu.memory_space<vmem>> -> memref<1x128x64xf32, #tpu.memory_space<vmem>>
    %dma_wait3A_230 = tpu.memref_squeeze %dma_wait3A_229 : memref<1x128x64xf32, #tpu.memory_space<vmem>> -> memref<128x64xf32, #tpu.memory_space<vmem>>
    tpu.wait_dma2 semaphore(%arg13 : memref<!tpu.dma_semaphore, #tpu.memory_space<semaphore_mem>>) src(%dma_wait3A_230 : memref<128x64xf32, #tpu.memory_space<vmem>>) dst(%dma_wait3A_226 : memref<128x64xf32, #tpu.memory_space<hbm>>)
    %dma_start3A_231 = arith.constant 198 : i32
    %dma_start3A_232 = arith.constant 2 : i32
    %dma_start3A_233 = arith.constant 0 : i32
    %dma_start3A_234 = arith.constant 0 : i32
    %dma_start3A_235 = tpu.memref_slice %arg6[%dma_start3A_232, %dma_start3A_233, %dma_start3A_234] : memref<4x128x64xf32, #tpu.memory_space<vmem>> -> memref<1x128x64xf32, #tpu.memory_space<vmem>>
    %dma_start3A_236 = tpu.memref_squeeze %dma_start3A_235 : memref<1x128x64xf32, #tpu.memory_space<vmem>> -> memref<128x64xf32, #tpu.memory_space<vmem>>
    %dma_start3A_237 = arith.constant 0 : i32
    %dma_start3A_238 = tpu.memref_slice %arg5[%dma_start3A_231, %dma_start3A_237] : memref<200x128xi32, #tpu.memory_space<vmem>> -> memref<1x128xi32, #tpu.memory_space<vmem>>
    %dma_start3A_239 = tpu.memref_squeeze %dma_start3A_238 : memref<1x128xi32, #tpu.memory_space<vmem>> -> memref<128xi32, #tpu.memory_space<vmem>>
    %dma_start3A_240 = arith.constant 0 : i32
    %dma_start3A_241 = arith.constant 0 : i32
    %dma_start3A_242 = tpu.memref_slice %arg3[%dma_start3A_240, %dma_start3A_241] : memref<100000x64xf32, #tpu.memory_space<hbm>> -> memref<100000x64xf32, #tpu.memory_space<hbm>>
    tpu.enqueue_indirect_dma source(%dma_start3A_242 : memref<100000x64xf32, #tpu.memory_space<hbm>>) target(%dma_start3A_236 : memref<128x64xf32, #tpu.memory_space<vmem>>) offsets(%dma_start3A_239 : memref<128xi32, #tpu.memory_space<vmem>>) semaphore(%arg9 : memref<!tpu.dma_semaphore, #tpu.memory_space<semaphore_mem>>)
    %dma_wait3A_243 = arith.constant 196 : i32
    %dma_wait3A_244 = arith.constant 0 : i32
    %dma_wait3A_245 = arith.constant 0 : i32
    %dma_wait3A_246 = arith.constant 0 : i32
    %dma_wait3A_247 = tpu.memref_slice %arg6[%dma_wait3A_244, %dma_wait3A_245, %dma_wait3A_246] : memref<4x128x64xf32, #tpu.memory_space<vmem>> -> memref<1x128x64xf32, #tpu.memory_space<vmem>>
    %dma_wait3A_248 = tpu.memref_squeeze %dma_wait3A_247 : memref<1x128x64xf32, #tpu.memory_space<vmem>> -> memref<128x64xf32, #tpu.memory_space<vmem>>
    %dma_wait3A_249 = arith.constant 0 : i32
    %dma_wait3A_250 = tpu.memref_slice %arg5[%dma_wait3A_243, %dma_wait3A_249] : memref<200x128xi32, #tpu.memory_space<vmem>> -> memref<1x128xi32, #tpu.memory_space<vmem>>
    %dma_wait3A_251 = tpu.memref_squeeze %dma_wait3A_250 : memref<1x128xi32, #tpu.memory_space<vmem>> -> memref<128xi32, #tpu.memory_space<vmem>>
    %dma_wait3A_252 = arith.constant 0 : i32
    %dma_wait3A_253 = arith.constant 0 : i32
    %dma_wait3A_254 = tpu.memref_slice %arg3[%dma_wait3A_252, %dma_wait3A_253] : memref<100000x64xf32, #tpu.memory_space<hbm>> -> memref<100000x64xf32, #tpu.memory_space<hbm>>
    tpu.wait_indirect_dma semaphore(%arg7 : memref<!tpu.dma_semaphore, #tpu.memory_space<semaphore_mem>>) src(%dma_wait3A_254 : memref<100000x64xf32, #tpu.memory_space<hbm>>) dst(%dma_wait3A_248 : memref<128x64xf32, #tpu.memory_space<vmem>>)
    %add3A_255 = arith.constant 25088 : i32
    %add3A_256 = arith.addi %mul3A_2, %add3A_255 : i32
    %dma_start3A_257 = arith.constant 0 : i32
    %dma_start3A_258 = arith.constant 0 : i32
    %dma_start3A_259 = arith.constant 0 : i32
    %dma_start3A_260 = tpu.memref_slice %arg6[%dma_start3A_257, %dma_start3A_258, %dma_start3A_259] : memref<4x128x64xf32, #tpu.memory_space<vmem>> -> memref<1x128x64xf32, #tpu.memory_space<vmem>>
    %dma_start3A_261 = tpu.memref_squeeze %dma_start3A_260 : memref<1x128x64xf32, #tpu.memory_space<vmem>> -> memref<128x64xf32, #tpu.memory_space<vmem>>
    %dma_start3A_262 = arith.constant 0 : i32
    %dma_start3A_263 = tpu.memref_slice %arg4[%add3A_256, %dma_start3A_262] : memref<819200x64xf32, #tpu.memory_space<hbm>> -> memref<128x64xf32, #tpu.memory_space<hbm>>
    %dma_start3A_264 = arith.constant 0 : i32
    %dma_start3A_265 = tpu.memref_slice %arg4[%add3A_256, %dma_start3A_264] : memref<819200x64xf32, #tpu.memory_space<hbm>> -> memref<128x64xf32, #tpu.memory_space<hbm>>
    %dma_start3A_266 = arith.constant 0 : i32
    %dma_start3A_267 = arith.constant 0 : i32
    %dma_start3A_268 = tpu.memref_slice %arg6[%dma_start3A_257, %dma_start3A_266, %dma_start3A_267] : memref<4x128x64xf32, #tpu.memory_space<vmem>> -> memref<1x128x64xf32, #tpu.memory_space<vmem>>
    %dma_start3A_269 = tpu.memref_squeeze %dma_start3A_268 : memref<1x128x64xf32, #tpu.memory_space<vmem>> -> memref<128x64xf32, #tpu.memory_space<vmem>>
    tpu.enqueue_dma source(%dma_start3A_269 : memref<128x64xf32, #tpu.memory_space<vmem>>) target(%dma_start3A_265 : memref<128x64xf32, #tpu.memory_space<hbm>>) target_semaphore(%arg11 : memref<!tpu.dma_semaphore, #tpu.memory_space<semaphore_mem>>)
    %add3A_270 = arith.constant 24960 : i32
    %add3A_271 = arith.addi %mul3A_2, %add3A_270 : i32
    %dma_wait3A_272 = arith.constant 3 : i32
    %dma_wait3A_273 = arith.constant 0 : i32
    %dma_wait3A_274 = arith.constant 0 : i32
    %dma_wait3A_275 = tpu.memref_slice %arg6[%dma_wait3A_272, %dma_wait3A_273, %dma_wait3A_274] : memref<4x128x64xf32, #tpu.memory_space<vmem>> -> memref<1x128x64xf32, #tpu.memory_space<vmem>>
    %dma_wait3A_276 = tpu.memref_squeeze %dma_wait3A_275 : memref<1x128x64xf32, #tpu.memory_space<vmem>> -> memref<128x64xf32, #tpu.memory_space<vmem>>
    %dma_wait3A_277 = arith.constant 0 : i32
    %dma_wait3A_278 = tpu.memref_slice %arg4[%add3A_271, %dma_wait3A_277] : memref<819200x64xf32, #tpu.memory_space<hbm>> -> memref<128x64xf32, #tpu.memory_space<hbm>>
    %dma_wait3A_279 = arith.constant 0 : i32
    %dma_wait3A_280 = tpu.memref_slice %arg4[%add3A_271, %dma_wait3A_279] : memref<819200x64xf32, #tpu.memory_space<hbm>> -> memref<128x64xf32, #tpu.memory_space<hbm>>
    %dma_wait3A_281 = arith.constant 0 : i32
    %dma_wait3A_282 = arith.constant 0 : i32
    %dma_wait3A_283 = tpu.memref_slice %arg6[%dma_wait3A_272, %dma_wait3A_281, %dma_wait3A_282] : memref<4x128x64xf32, #tpu.memory_space<vmem>> -> memref<1x128x64xf32, #tpu.memory_space<vmem>>
    %dma_wait3A_284 = tpu.memref_squeeze %dma_wait3A_283 : memref<1x128x64xf32, #tpu.memory_space<vmem>> -> memref<128x64xf32, #tpu.memory_space<vmem>>
    tpu.wait_dma2 semaphore(%arg14 : memref<!tpu.dma_semaphore, #tpu.memory_space<semaphore_mem>>) src(%dma_wait3A_284 : memref<128x64xf32, #tpu.memory_space<vmem>>) dst(%dma_wait3A_280 : memref<128x64xf32, #tpu.memory_space<hbm>>)
    %dma_start3A_285 = arith.constant 199 : i32
    %dma_start3A_286 = arith.constant 3 : i32
    %dma_start3A_287 = arith.constant 0 : i32
    %dma_start3A_288 = arith.constant 0 : i32
    %dma_start3A_289 = tpu.memref_slice %arg6[%dma_start3A_286, %dma_start3A_287, %dma_start3A_288] : memref<4x128x64xf32, #tpu.memory_space<vmem>> -> memref<1x128x64xf32, #tpu.memory_space<vmem>>
    %dma_start3A_290 = tpu.memref_squeeze %dma_start3A_289 : memref<1x128x64xf32, #tpu.memory_space<vmem>> -> memref<128x64xf32, #tpu.memory_space<vmem>>
    %dma_start3A_291 = arith.constant 0 : i32
    %dma_start3A_292 = tpu.memref_slice %arg5[%dma_start3A_285, %dma_start3A_291] : memref<200x128xi32, #tpu.memory_space<vmem>> -> memref<1x128xi32, #tpu.memory_space<vmem>>
    %dma_start3A_293 = tpu.memref_squeeze %dma_start3A_292 : memref<1x128xi32, #tpu.memory_space<vmem>> -> memref<128xi32, #tpu.memory_space<vmem>>
    %dma_start3A_294 = arith.constant 0 : i32
    %dma_start3A_295 = arith.constant 0 : i32
    %dma_start3A_296 = tpu.memref_slice %arg3[%dma_start3A_294, %dma_start3A_295] : memref<100000x64xf32, #tpu.memory_space<hbm>> -> memref<100000x64xf32, #tpu.memory_space<hbm>>
    tpu.enqueue_indirect_dma source(%dma_start3A_296 : memref<100000x64xf32, #tpu.memory_space<hbm>>) target(%dma_start3A_290 : memref<128x64xf32, #tpu.memory_space<vmem>>) offsets(%dma_start3A_293 : memref<128xi32, #tpu.memory_space<vmem>>) semaphore(%arg10 : memref<!tpu.dma_semaphore, #tpu.memory_space<semaphore_mem>>)
    %dma_wait3A_297 = arith.constant 197 : i32
    %dma_wait3A_298 = arith.constant 1 : i32
    %dma_wait3A_299 = arith.constant 0 : i32
    %dma_wait3A_300 = arith.constant 0 : i32
    %dma_wait3A_301 = tpu.memref_slice %arg6[%dma_wait3A_298, %dma_wait3A_299, %dma_wait3A_300] : memref<4x128x64xf32, #tpu.memory_space<vmem>> -> memref<1x128x64xf32, #tpu.memory_space<vmem>>
    %dma_wait3A_302 = tpu.memref_squeeze %dma_wait3A_301 : memref<1x128x64xf32, #tpu.memory_space<vmem>> -> memref<128x64xf32, #tpu.memory_space<vmem>>
    %dma_wait3A_303 = arith.constant 0 : i32
    %dma_wait3A_304 = tpu.memref_slice %arg5[%dma_wait3A_297, %dma_wait3A_303] : memref<200x128xi32, #tpu.memory_space<vmem>> -> memref<1x128xi32, #tpu.memory_space<vmem>>
    %dma_wait3A_305 = tpu.memref_squeeze %dma_wait3A_304 : memref<1x128xi32, #tpu.memory_space<vmem>> -> memref<128xi32, #tpu.memory_space<vmem>>
    %dma_wait3A_306 = arith.constant 0 : i32
    %dma_wait3A_307 = arith.constant 0 : i32
    %dma_wait3A_308 = tpu.memref_slice %arg3[%dma_wait3A_306, %dma_wait3A_307] : memref<100000x64xf32, #tpu.memory_space<hbm>> -> memref<100000x64xf32, #tpu.memory_space<hbm>>
    tpu.wait_indirect_dma semaphore(%arg8 : memref<!tpu.dma_semaphore, #tpu.memory_space<semaphore_mem>>) src(%dma_wait3A_308 : memref<100000x64xf32, #tpu.memory_space<hbm>>) dst(%dma_wait3A_302 : memref<128x64xf32, #tpu.memory_space<vmem>>)
    %add3A_309 = arith.constant 25216 : i32
    %add3A_310 = arith.addi %mul3A_2, %add3A_309 : i32
    %dma_start3A_311 = arith.constant 1 : i32
    %dma_start3A_312 = arith.constant 0 : i32
    %dma_start3A_313 = arith.constant 0 : i32
    %dma_start3A_314 = tpu.memref_slice %arg6[%dma_start3A_311, %dma_start3A_312, %dma_start3A_313] : memref<4x128x64xf32, #tpu.memory_space<vmem>> -> memref<1x128x64xf32, #tpu.memory_space<vmem>>
    %dma_start3A_315 = tpu.memref_squeeze %dma_start3A_314 : memref<1x128x64xf32, #tpu.memory_space<vmem>> -> memref<128x64xf32, #tpu.memory_space<vmem>>
    %dma_start3A_316 = arith.constant 0 : i32
    %dma_start3A_317 = tpu.memref_slice %arg4[%add3A_310, %dma_start3A_316] : memref<819200x64xf32, #tpu.memory_space<hbm>> -> memref<128x64xf32, #tpu.memory_space<hbm>>
    %dma_start3A_318 = arith.constant 0 : i32
    %dma_start3A_319 = tpu.memref_slice %arg4[%add3A_310, %dma_start3A_318] : memref<819200x64xf32, #tpu.memory_space<hbm>> -> memref<128x64xf32, #tpu.memory_space<hbm>>
    %dma_start3A_320 = arith.constant 0 : i32
    %dma_start3A_321 = arith.constant 0 : i32
    %dma_start3A_322 = tpu.memref_slice %arg6[%dma_start3A_311, %dma_start3A_320, %dma_start3A_321] : memref<4x128x64xf32, #tpu.memory_space<vmem>> -> memref<1x128x64xf32, #tpu.memory_space<vmem>>
    %dma_start3A_323 = tpu.memref_squeeze %dma_start3A_322 : memref<1x128x64xf32, #tpu.memory_space<vmem>> -> memref<128x64xf32, #tpu.memory_space<vmem>>
    tpu.enqueue_dma source(%dma_start3A_323 : memref<128x64xf32, #tpu.memory_space<vmem>>) target(%dma_start3A_319 : memref<128x64xf32, #tpu.memory_space<hbm>>) target_semaphore(%arg12 : memref<!tpu.dma_semaphore, #tpu.memory_space<semaphore_mem>>)
    %dma_wait3A_324 = arith.constant 198 : i32
    %dma_wait3A_325 = arith.constant 2 : i32
    %dma_wait3A_326 = arith.constant 0 : i32
    %dma_wait3A_327 = arith.constant 0 : i32
    %dma_wait3A_328 = tpu.memref_slice %arg6[%dma_wait3A_325, %dma_wait3A_326, %dma_wait3A_327] : memref<4x128x64xf32, #tpu.memory_space<vmem>> -> memref<1x128x64xf32, #tpu.memory_space<vmem>>
    %dma_wait3A_329 = tpu.memref_squeeze %dma_wait3A_328 : memref<1x128x64xf32, #tpu.memory_space<vmem>> -> memref<128x64xf32, #tpu.memory_space<vmem>>
    %dma_wait3A_330 = arith.constant 0 : i32
    %dma_wait3A_331 = tpu.memref_slice %arg5[%dma_wait3A_324, %dma_wait3A_330] : memref<200x128xi32, #tpu.memory_space<vmem>> -> memref<1x128xi32, #tpu.memory_space<vmem>>
    %dma_wait3A_332 = tpu.memref_squeeze %dma_wait3A_331 : memref<1x128xi32, #tpu.memory_space<vmem>> -> memref<128xi32, #tpu.memory_space<vmem>>
    %dma_wait3A_333 = arith.constant 0 : i32
    %dma_wait3A_334 = arith.constant 0 : i32
    %dma_wait3A_335 = tpu.memref_slice %arg3[%dma_wait3A_333, %dma_wait3A_334] : memref<100000x64xf32, #tpu.memory_space<hbm>> -> memref<100000x64xf32, #tpu.memory_space<hbm>>
    tpu.wait_indirect_dma semaphore(%arg9 : memref<!tpu.dma_semaphore, #tpu.memory_space<semaphore_mem>>) src(%dma_wait3A_335 : memref<100000x64xf32, #tpu.memory_space<hbm>>) dst(%dma_wait3A_329 : memref<128x64xf32, #tpu.memory_space<vmem>>)
    %add3A_336 = arith.constant 25344 : i32
    %add3A_337 = arith.addi %mul3A_2, %add3A_336 : i32
    %dma_start3A_338 = arith.constant 2 : i32
    %dma_start3A_339 = arith.constant 0 : i32
    %dma_start3A_340 = arith.constant 0 : i32
    %dma_start3A_341 = tpu.memref_slice %arg6[%dma_start3A_338, %dma_start3A_339, %dma_start3A_340] : memref<4x128x64xf32, #tpu.memory_space<vmem>> -> memref<1x128x64xf32, #tpu.memory_space<vmem>>
    %dma_start3A_342 = tpu.memref_squeeze %dma_start3A_341 : memref<1x128x64xf32, #tpu.memory_space<vmem>> -> memref<128x64xf32, #tpu.memory_space<vmem>>
    %dma_start3A_343 = arith.constant 0 : i32
    %dma_start3A_344 = tpu.memref_slice %arg4[%add3A_337, %dma_start3A_343] : memref<819200x64xf32, #tpu.memory_space<hbm>> -> memref<128x64xf32, #tpu.memory_space<hbm>>
    %dma_start3A_345 = arith.constant 0 : i32
    %dma_start3A_346 = tpu.memref_slice %arg4[%add3A_337, %dma_start3A_345] : memref<819200x64xf32, #tpu.memory_space<hbm>> -> memref<128x64xf32, #tpu.memory_space<hbm>>
    %dma_start3A_347 = arith.constant 0 : i32
    %dma_start3A_348 = arith.constant 0 : i32
    %dma_start3A_349 = tpu.memref_slice %arg6[%dma_start3A_338, %dma_start3A_347, %dma_start3A_348] : memref<4x128x64xf32, #tpu.memory_space<vmem>> -> memref<1x128x64xf32, #tpu.memory_space<vmem>>
    %dma_start3A_350 = tpu.memref_squeeze %dma_start3A_349 : memref<1x128x64xf32, #tpu.memory_space<vmem>> -> memref<128x64xf32, #tpu.memory_space<vmem>>
    tpu.enqueue_dma source(%dma_start3A_350 : memref<128x64xf32, #tpu.memory_space<vmem>>) target(%dma_start3A_346 : memref<128x64xf32, #tpu.memory_space<hbm>>) target_semaphore(%arg13 : memref<!tpu.dma_semaphore, #tpu.memory_space<semaphore_mem>>)
    %dma_wait3A_351 = arith.constant 199 : i32
    %dma_wait3A_352 = arith.constant 3 : i32
    %dma_wait3A_353 = arith.constant 0 : i32
    %dma_wait3A_354 = arith.constant 0 : i32
    %dma_wait3A_355 = tpu.memref_slice %arg6[%dma_wait3A_352, %dma_wait3A_353, %dma_wait3A_354] : memref<4x128x64xf32, #tpu.memory_space<vmem>> -> memref<1x128x64xf32, #tpu.memory_space<vmem>>
    %dma_wait3A_356 = tpu.memref_squeeze %dma_wait3A_355 : memref<1x128x64xf32, #tpu.memory_space<vmem>> -> memref<128x64xf32, #tpu.memory_space<vmem>>
    %dma_wait3A_357 = arith.constant 0 : i32
    %dma_wait3A_358 = tpu.memref_slice %arg5[%dma_wait3A_351, %dma_wait3A_357] : memref<200x128xi32, #tpu.memory_space<vmem>> -> memref<1x128xi32, #tpu.memory_space<vmem>>
    %dma_wait3A_359 = tpu.memref_squeeze %dma_wait3A_358 : memref<1x128xi32, #tpu.memory_space<vmem>> -> memref<128xi32, #tpu.memory_space<vmem>>
    %dma_wait3A_360 = arith.constant 0 : i32
    %dma_wait3A_361 = arith.constant 0 : i32
    %dma_wait3A_362 = tpu.memref_slice %arg3[%dma_wait3A_360, %dma_wait3A_361] : memref<100000x64xf32, #tpu.memory_space<hbm>> -> memref<100000x64xf32, #tpu.memory_space<hbm>>
    tpu.wait_indirect_dma semaphore(%arg10 : memref<!tpu.dma_semaphore, #tpu.memory_space<semaphore_mem>>) src(%dma_wait3A_362 : memref<100000x64xf32, #tpu.memory_space<hbm>>) dst(%dma_wait3A_356 : memref<128x64xf32, #tpu.memory_space<vmem>>)
    %add3A_363 = arith.constant 25472 : i32
    %add3A_364 = arith.addi %mul3A_2, %add3A_363 : i32
    %dma_start3A_365 = arith.constant 3 : i32
    %dma_start3A_366 = arith.constant 0 : i32
    %dma_start3A_367 = arith.constant 0 : i32
    %dma_start3A_368 = tpu.memref_slice %arg6[%dma_start3A_365, %dma_start3A_366, %dma_start3A_367] : memref<4x128x64xf32, #tpu.memory_space<vmem>> -> memref<1x128x64xf32, #tpu.memory_space<vmem>>
    %dma_start3A_369 = tpu.memref_squeeze %dma_start3A_368 : memref<1x128x64xf32, #tpu.memory_space<vmem>> -> memref<128x64xf32, #tpu.memory_space<vmem>>
    %dma_start3A_370 = arith.constant 0 : i32
    %dma_start3A_371 = tpu.memref_slice %arg4[%add3A_364, %dma_start3A_370] : memref<819200x64xf32, #tpu.memory_space<hbm>> -> memref<128x64xf32, #tpu.memory_space<hbm>>
    %dma_start3A_372 = arith.constant 0 : i32
    %dma_start3A_373 = tpu.memref_slice %arg4[%add3A_364, %dma_start3A_372] : memref<819200x64xf32, #tpu.memory_space<hbm>> -> memref<128x64xf32, #tpu.memory_space<hbm>>
    %dma_start3A_374 = arith.constant 0 : i32
    %dma_start3A_375 = arith.constant 0 : i32
    %dma_start3A_376 = tpu.memref_slice %arg6[%dma_start3A_365, %dma_start3A_374, %dma_start3A_375] : memref<4x128x64xf32, #tpu.memory_space<vmem>> -> memref<1x128x64xf32, #tpu.memory_space<vmem>>
    %dma_start3A_377 = tpu.memref_squeeze %dma_start3A_376 : memref<1x128x64xf32, #tpu.memory_space<vmem>> -> memref<128x64xf32, #tpu.memory_space<vmem>>
    tpu.enqueue_dma source(%dma_start3A_377 : memref<128x64xf32, #tpu.memory_space<vmem>>) target(%dma_start3A_373 : memref<128x64xf32, #tpu.memory_space<hbm>>) target_semaphore(%arg14 : memref<!tpu.dma_semaphore, #tpu.memory_space<semaphore_mem>>)
    %add3A_378 = arith.constant 25088 : i32
    %add3A_379 = arith.addi %mul3A_2, %add3A_378 : i32
    %dma_wait3A_380 = arith.constant 0 : i32
    %dma_wait3A_381 = arith.constant 0 : i32
    %dma_wait3A_382 = arith.constant 0 : i32
    %dma_wait3A_383 = tpu.memref_slice %arg6[%dma_wait3A_380, %dma_wait3A_381, %dma_wait3A_382] : memref<4x128x64xf32, #tpu.memory_space<vmem>> -> memref<1x128x64xf32, #tpu.memory_space<vmem>>
    %dma_wait3A_384 = tpu.memref_squeeze %dma_wait3A_383 : memref<1x128x64xf32, #tpu.memory_space<vmem>> -> memref<128x64xf32, #tpu.memory_space<vmem>>
    %dma_wait3A_385 = arith.constant 0 : i32
    %dma_wait3A_386 = tpu.memref_slice %arg4[%add3A_379, %dma_wait3A_385] : memref<819200x64xf32, #tpu.memory_space<hbm>> -> memref<128x64xf32, #tpu.memory_space<hbm>>
    %dma_wait3A_387 = arith.constant 0 : i32
    %dma_wait3A_388 = tpu.memref_slice %arg4[%add3A_379, %dma_wait3A_387] : memref<819200x64xf32, #tpu.memory_space<hbm>> -> memref<128x64xf32, #tpu.memory_space<hbm>>
    %dma_wait3A_389 = arith.constant 0 : i32
    %dma_wait3A_390 = arith.constant 0 : i32
    %dma_wait3A_391 = tpu.memref_slice %arg6[%dma_wait3A_380, %dma_wait3A_389, %dma_wait3A_390] : memref<4x128x64xf32, #tpu.memory_space<vmem>> -> memref<1x128x64xf32, #tpu.memory_space<vmem>>
    %dma_wait3A_392 = tpu.memref_squeeze %dma_wait3A_391 : memref<1x128x64xf32, #tpu.memory_space<vmem>> -> memref<128x64xf32, #tpu.memory_space<vmem>>
    tpu.wait_dma2 semaphore(%arg11 : memref<!tpu.dma_semaphore, #tpu.memory_space<semaphore_mem>>) src(%dma_wait3A_392 : memref<128x64xf32, #tpu.memory_space<vmem>>) dst(%dma_wait3A_388 : memref<128x64xf32, #tpu.memory_space<hbm>>)
    %add3A_393 = arith.constant 25216 : i32
    %add3A_394 = arith.addi %mul3A_2, %add3A_393 : i32
    %dma_wait3A_395 = arith.constant 1 : i32
    %dma_wait3A_396 = arith.constant 0 : i32
    %dma_wait3A_397 = arith.constant 0 : i32
    %dma_wait3A_398 = tpu.memref_slice %arg6[%dma_wait3A_395, %dma_wait3A_396, %dma_wait3A_397] : memref<4x128x64xf32, #tpu.memory_space<vmem>> -> memref<1x128x64xf32, #tpu.memory_space<vmem>>
    %dma_wait3A_399 = tpu.memref_squeeze %dma_wait3A_398 : memref<1x128x64xf32, #tpu.memory_space<vmem>> -> memref<128x64xf32, #tpu.memory_space<vmem>>
    %dma_wait3A_400 = arith.constant 0 : i32
    %dma_wait3A_401 = tpu.memref_slice %arg4[%add3A_394, %dma_wait3A_400] : memref<819200x64xf32, #tpu.memory_space<hbm>> -> memref<128x64xf32, #tpu.memory_space<hbm>>
    %dma_wait3A_402 = arith.constant 0 : i32
    %dma_wait3A_403 = tpu.memref_slice %arg4[%add3A_394, %dma_wait3A_402] : memref<819200x64xf32, #tpu.memory_space<hbm>> -> memref<128x64xf32, #tpu.memory_space<hbm>>
    %dma_wait3A_404 = arith.constant 0 : i32
    %dma_wait3A_405 = arith.constant 0 : i32
    %dma_wait3A_406 = tpu.memref_slice %arg6[%dma_wait3A_395, %dma_wait3A_404, %dma_wait3A_405] : memref<4x128x64xf32, #tpu.memory_space<vmem>> -> memref<1x128x64xf32, #tpu.memory_space<vmem>>
    %dma_wait3A_407 = tpu.memref_squeeze %dma_wait3A_406 : memref<1x128x64xf32, #tpu.memory_space<vmem>> -> memref<128x64xf32, #tpu.memory_space<vmem>>
    tpu.wait_dma2 semaphore(%arg12 : memref<!tpu.dma_semaphore, #tpu.memory_space<semaphore_mem>>) src(%dma_wait3A_407 : memref<128x64xf32, #tpu.memory_space<vmem>>) dst(%dma_wait3A_403 : memref<128x64xf32, #tpu.memory_space<hbm>>)
    %add3A_408 = arith.constant 25344 : i32
    %add3A_409 = arith.addi %mul3A_2, %add3A_408 : i32
    %dma_wait3A_410 = arith.constant 2 : i32
    %dma_wait3A_411 = arith.constant 0 : i32
    %dma_wait3A_412 = arith.constant 0 : i32
    %dma_wait3A_413 = tpu.memref_slice %arg6[%dma_wait3A_410, %dma_wait3A_411, %dma_wait3A_412] : memref<4x128x64xf32, #tpu.memory_space<vmem>> -> memref<1x128x64xf32, #tpu.memory_space<vmem>>
    %dma_wait3A_414 = tpu.memref_squeeze %dma_wait3A_413 : memref<1x128x64xf32, #tpu.memory_space<vmem>> -> memref<128x64xf32, #tpu.memory_space<vmem>>
    %dma_wait3A_415 = arith.constant 0 : i32
    %dma_wait3A_416 = tpu.memref_slice %arg4[%add3A_409, %dma_wait3A_415] : memref<819200x64xf32, #tpu.memory_space<hbm>> -> memref<128x64xf32, #tpu.memory_space<hbm>>
    %dma_wait3A_417 = arith.constant 0 : i32
    %dma_wait3A_418 = tpu.memref_slice %arg4[%add3A_409, %dma_wait3A_417] : memref<819200x64xf32, #tpu.memory_space<hbm>> -> memref<128x64xf32, #tpu.memory_space<hbm>>
    %dma_wait3A_419 = arith.constant 0 : i32
    %dma_wait3A_420 = arith.constant 0 : i32
    %dma_wait3A_421 = tpu.memref_slice %arg6[%dma_wait3A_410, %dma_wait3A_419, %dma_wait3A_420] : memref<4x128x64xf32, #tpu.memory_space<vmem>> -> memref<1x128x64xf32, #tpu.memory_space<vmem>>
    %dma_wait3A_422 = tpu.memref_squeeze %dma_wait3A_421 : memref<1x128x64xf32, #tpu.memory_space<vmem>> -> memref<128x64xf32, #tpu.memory_space<vmem>>
    tpu.wait_dma2 semaphore(%arg13 : memref<!tpu.dma_semaphore, #tpu.memory_space<semaphore_mem>>) src(%dma_wait3A_422 : memref<128x64xf32, #tpu.memory_space<vmem>>) dst(%dma_wait3A_418 : memref<128x64xf32, #tpu.memory_space<hbm>>)
    %add3A_423 = arith.constant 25472 : i32
    %add3A_424 = arith.addi %mul3A_2, %add3A_423 : i32
    %dma_wait3A_425 = arith.constant 3 : i32
    %dma_wait3A_426 = arith.constant 0 : i32
    %dma_wait3A_427 = arith.constant 0 : i32
    %dma_wait3A_428 = tpu.memref_slice %arg6[%dma_wait3A_425, %dma_wait3A_426, %dma_wait3A_427] : memref<4x128x64xf32, #tpu.memory_space<vmem>> -> memref<1x128x64xf32, #tpu.memory_space<vmem>>
    %dma_wait3A_429 = tpu.memref_squeeze %dma_wait3A_428 : memref<1x128x64xf32, #tpu.memory_space<vmem>> -> memref<128x64xf32, #tpu.memory_space<vmem>>
    %dma_wait3A_430 = arith.constant 0 : i32
    %dma_wait3A_431 = tpu.memref_slice %arg4[%add3A_424, %dma_wait3A_430] : memref<819200x64xf32, #tpu.memory_space<hbm>> -> memref<128x64xf32, #tpu.memory_space<hbm>>
    %dma_wait3A_432 = arith.constant 0 : i32
    %dma_wait3A_433 = tpu.memref_slice %arg4[%add3A_424, %dma_wait3A_432] : memref<819200x64xf32, #tpu.memory_space<hbm>> -> memref<128x64xf32, #tpu.memory_space<hbm>>
    %dma_wait3A_434 = arith.constant 0 : i32
    %dma_wait3A_435 = arith.constant 0 : i32
    %dma_wait3A_436 = tpu.memref_slice %arg6[%dma_wait3A_425, %dma_wait3A_434, %dma_wait3A_435] : memref<4x128x64xf32, #tpu.memory_space<vmem>> -> memref<1x128x64xf32, #tpu.memory_space<vmem>>
    %dma_wait3A_437 = tpu.memref_squeeze %dma_wait3A_436 : memref<1x128x64xf32, #tpu.memory_space<vmem>> -> memref<128x64xf32, #tpu.memory_space<vmem>>
    tpu.wait_dma2 semaphore(%arg14 : memref<!tpu.dma_semaphore, #tpu.memory_space<semaphore_mem>>) src(%dma_wait3A_437 : memref<128x64xf32, #tpu.memory_space<vmem>>) dst(%dma_wait3A_433 : memref<128x64xf32, #tpu.memory_space<hbm>>)
    return
  }
}

</mosaic_0001>

<sc_bundles>
// kernel: _run.3.cloned.1.call-start
scs
__scs_entry_jumppad:
0x0: {  	(pc) =	sbr.rel $0x88, $3  }
0x1: {  	(tag) =	ssettag $0x0;
	lr =	simm.s32 $0x1  }
0x2: {  	[smem:$0x3F9F] =	sst lr;
	_ =	strace $0xD0000000  }
0x3: {  	_ = 	snop  }
0x4: {  	_ = 	snop  }
0x5: {  	_ = 	snop  }
0x6: {  	_ = 	snop  }
0x7: {  	_ = 	snop  }
__scs_overlays_trampoline_lowered:
0x8: {  	[smem:$0x3FAE] =	sst s0  }
0x9: {  	[smem:$0x3FAF] =	sst s1  }
0xa: {  	[smem:$0x3FB0] =	sst s2  }
0xb: {  	[smem:$0x3FB1] =	sst s3  }
0xc: {  	[smem:$0x3FB2] =	sst s4  }
0xd: {  	[smem:$0x3FB3] =	sst s5  }
0xe: {  	[smem:$0x3FB4] =	sst s6  }
0xf: {  	[smem:$0x3FB5] =	sst s7  }
0x10: {  	[smem:$0x3FB6] =	sst s8  }
0x11: {  	[smem:$0x3FB7] =	sst s9;
	s0 =	simm.s32 @!p0 $0x0  }
0x12: {  	s1 =	sld [smem:$0x3F9D];
	s0 =	simm.s32 @p0 $0x1  }
0x13: {  	[smem:$0x3FB8] =	sst s0;
	s0 =	simm.s32 @!p1 $0x0  }
0x14: {  	s2 =	sld [smem:$0x3F9C];
	s0 =	simm.s32 @p1 $0x1  }
0x15: {  	[smem:$0x3FB9] =	sst s0;
	s0 =	simm.s32 @!p2 $0x0  }
0x16: {  	s3 =	sld [smem:$0x3FDB];
	s0 =	simm.s32 @p2 $0x1  }
0x17: {  	s4 =	simm.s32 $0x1BF5;
	[smem:$0x3FBB] =	sst s0  }
0x18: {  	s0 =	sld [smem:$0x3F9E];
	_ =	swait.ge [sflag:s4], $0x0  }
0x19: {  	s7 =	sld [smem:$0x3F9F]  }
0x1a: {  	s8 =	sadd.s32 $0xFFFFE003, lr  }
0x1b: {  	s9 =	sadd.s32 $0xFFFFFEF7, lr;
	s5 =	simm.s32 $0xFFFFFFFF;
	p2 =	slt.u32 s8, $0xFFFFF086  }
0x1c: {  	p1 =	slt.u32 s9, $0xF7A;
	s5 =	simm.s32 @!p2 $0x0  }
0x1d: {  	s5 =	simm.s32 @p1 $0x1;
	p0 =	seq.s32 s7, s2  }
0x1e: {  	s7 =	smul.u32 @!p0 $0xF7A, s2;
	p2 =	seq.s32 @!p0 s5, $0x0  }
0x1f: {  	s9 =	smul.u32 $0xF7A, s1;
	s8 =	simm.s32 @!p0 $0x1BF5;
	p2 =	por !p2, p0  }
0x20: {  	[sflag:s8] =	ssyncset.s32 @!p0 $0xFFFFF086;
	s6 =	sadd.s32 @!p0 s3, s7;
	s7 =	simm.s32 @!p0 $0x108  }
0x21: {  	s3 =	sadd.s32 s3, s9;
	s6 =	sadd.s32 @!p0 $0x88, s6;
	s7 =	simm.s32 @p2 $0x1082  }
0x22: {  	[simem:s7], [sflag:s8] =	dma.local @!p0 [hbm:s6], $0xF7A  }
0x23: {  	s9 =	sor.u32 $0xD0000000, s2;
	s6 =	simm.s32 $0x108;
	_ =	swait.ge @!p0 [sflag:s8], $0x0  }
0x24: {  	s3 =	sadd.s32 $0x88, s3;
	s6 =	simm.s32 @!p1 $0x1082;
	[sflag:s4] =	ssyncset.s32 $0xFFFFF086  }
0x25: {  	[simem:s6], [sflag:s4] =	dma.local [hbm:s3], $0xF7A  }
0x26: {  	[smem:$0x3F9F] =	sst s1;
	(tag) =	ssettag s2;
	_ =	strace s9  }
0x27: {  	s1 =	sld [smem:$0x3FAF]  }
0x28: {  	s2 =	sld [smem:$0x3FB0]  }
0x29: {  	s4 =	sld [smem:$0x3FB2]  }
0x2a: {  	p0 =	seq.s32 s5, $0x0;
	s5 =	sld [smem:$0x3FB3]  }
0x2b: {  	s6 =	sld [smem:$0x3FB4]  }
0x2c: {  	s7 =	sld [smem:$0x3FB5]  }
0x2d: {  	s3 =	simm.s32 $0x108;
	s8 =	sld [smem:$0x3FB6]  }
0x2e: {  	s3 =	simm.s32 @!p0 $0x1082;
	s9 =	sld [smem:$0x3FB7]  }
0x2f: {  	lr =	sadd.s32 s0, s3;
	s0 =	sld [smem:$0x3FAE]  }
0x30: {  	s3 =	sld [smem:$0x3FB1]  }
0x31: {  	[smem:$0x3FBA] =	sst s10  }
0x32: {  	s10 =	sld [smem:$0x3FB8];
	_ =	sdelay $0x3  }
0x33: {  	p0 =	seq.s32 s10, $0x1;
	s10 =	sld [smem:$0x3FBA];
	_ =	sdelay $0x3  }
0x34: {  	[smem:$0x3FBA] =	sst s10  }
0x35: {  	s10 =	sld [smem:$0x3FB9];
	_ =	sdelay $0x3  }
0x36: {  	p1 =	seq.s32 s10, $0x1;
	s10 =	sld [smem:$0x3FBA];
	_ =	sdelay $0x3  }
0x37: {  	[smem:$0x3FBA] =	sst s10  }
0x38: {  	s10 =	sld [smem:$0x3FBB]  }
0x39: {  	_ = 	snop;
	(pc) =	sbr.ind lr, $3  }
0x3a: {  	_ = 	snop  }
0x3b: {  	_ = 	snop  }
0x3c: {  	p2 =	seq.s32 s10, $0x1;
	s10 =	sld [smem:$0x3FBA]  }
0x3d: {  	_ =	shalt  }
0x3e: {  	_ =	shalt  }
0x3f: {  	_ =	shalt  }
0x40: {  	_ =	shalt  }
0x41: {  	_ =	shalt  }
0x42: {  	_ =	shalt  }
0x43: {  	_ =	shalt  }
0x44: {  	_ =	shalt  }
0x45: {  	_ =	shalt  }
0x46: {  	_ =	shalt  }
0x47: {  	_ =	shalt  }
0x48: {  	_ =	shalt  }
0x49: {  	_ =	shalt  }
0x4a: {  	_ =	shalt  }
0x4b: {  	_ =	shalt  }
0x4c: {  	_ =	shalt  }
0x4d: {  	_ =	shalt  }
0x4e: {  	_ =	shalt  }
0x4f: {  	_ =	shalt  }
0x50: {  	_ =	shalt  }
0x51: {  	_ =	shalt  }
0x52: {  	_ =	shalt  }
0x53: {  	_ =	shalt  }
0x54: {  	_ =	shalt  }
0x55: {  	_ =	shalt  }
0x56: {  	_ =	shalt  }
0x57: {  	_ =	shalt  }
0x58: {  	_ =	shalt  }
0x59: {  	_ =	shalt  }
0x5a: {  	_ =	shalt  }
0x5b: {  	_ =	shalt  }
0x5c: {  	_ =	shalt  }
0x5d: {  	_ =	shalt  }
0x5e: {  	_ =	shalt  }
0x5f: {  	_ =	shalt  }
0x60: {  	_ =	shalt  }
0x61: {  	_ =	shalt  }
0x62: {  	_ =	shalt  }
0x63: {  	_ =	shalt  }
0x64: {  	_ =	shalt  }
0x65: {  	_ =	shalt  }
0x66: {  	_ =	shalt  }
0x67: {  	_ =	shalt  }
0x68: {  	_ =	shalt  }
0x69: {  	_ =	shalt  }
0x6a: {  	_ =	shalt  }
0x6b: {  	_ =	shalt  }
0x6c: {  	_ =	shalt  }
0x6d: {  	_ =	shalt  }
0x6e: {  	_ =	shalt  }
0x6f: {  	_ =	shalt  }
0x70: {  	_ =	shalt  }
0x71: {  	_ =	shalt  }
0x72: {  	_ =	shalt  }
0x73: {  	_ =	shalt  }
0x74: {  	_ =	shalt  }
0x75: {  	_ =	shalt  }
0x76: {  	_ =	shalt  }
0x77: {  	_ =	shalt  }
0x78: {  	_ =	shalt  }
0x79: {  	_ =	shalt  }
0x7a: {  	_ =	shalt  }
0x7b: {  	_ =	shalt  }
0x7c: {  	_ =	shalt  }
0x7d: {  	_ =	shalt  }
0x7e: {  	_ =	shalt  }
0x7f: {  	_ =	shalt  }
0x80: {  	_ =	shalt  }
0x81: {  	_ =	shalt  }
0x82: {  	_ =	shalt  }
0x83: {  	_ =	shalt  }
0x84: {  	_ =	shalt  }
0x85: {  	_ =	shalt  }
0x86: {  	_ =	shalt  }
0x87: {  	_ =	shalt  }
.Lfunc_end0:
.L_simem_size_0:
called_computation.1_lowered:
.L_overlay_start_0:
0x88: {  	s2 =	sld [smem:$0x3FD9]  }
0x89: {  	s3 =	sld [smem:$0x3FFE];
	_ =	sdelay $0x1  }
0x8a: {  	s1 =	srdreg.scid  }
0x8b: {  	s0 =	sand.u32 $0x1, s1  }
0x8c: {  	s17 =	sshll.u32 s0, $0xA;
	s2 =	sadd.s32 s3, s2  }
0x8d: {  	s2 =	sadd.s32 s2, s17  }
0x8e: {  	[smem:$0x3FC6] =	sst s2  }
0x8f: {  	_ = 	snop  }
0x90: {  	s2 =	sld [smem:$0x3FC9]  }
0x91: {  	s18 =	sld [smem:$0x3FD0];
	(tm) =	ssettm $0x1  }
0x92: {  	s4 =	sld [smem:$0x3FFB];
	_ =	sdelay $0x3  }
0x93: {  	_ =	strace s4  }
0x94: {  	s4 =	sld [smem:$0x3FFC];
	_ =	sdelay $0x3  }
0x95: {  	_ =	strace s4  }
0x96: {  	s4 =	sld [smem:$0x3FFD];
	_ =	sdelay $0x3  }
0x97: {  	_ =	strace s4  }
0x98: {  	_ =	strace $0x8FFFFFFF  }
0x99: {  	s19 =	sld [smem:$0x3FDB];
	_ =	sdelay $0x1  }
0x9a: {  	s5 =	simm.s32 $_scs_section_size  }
0x9b: {  	s6 =	simm.s32 $_size__tile_overlayer_lowered;
	s7 =	simm.s32 $_tile_overlayer_lowered  }
0x9c: {  	s22 =	simm.s32 $0x1BFF;
	s21 =	sshll.u32 s7, $0x1;
	s4 =	sadd.s32 s5, s19  }
0x9d: {  	s8 =	simm.s32 $0x0;
	s20 =	sshll.u32 s6, $0x1;
	s6 =	sadd.s32 s21, s4  }
0x9e: {  	[timem:s8], [sflag:s22] =	dma.local [hbm:s6], s20  }
0x9f: {  	_ =	swait.ge [sflag:s22], s20  }
0xa0: {  	s5 =	ssub.s32 $0x0, s20;
	[sflag:s22] =	ssyncset.done $0x0  }
0xa1: {  	[sflag:s22] =	ssyncadd.s32 s5;
	_ =	sdelay $0x1  }
0xa2: {  	s23 =	simm.s32 $0x1B8B  }
0xa3: {  	_ =	swait.ge [sflag:s23], $0x1  }
0xa4: {  	[sflag:s23] =	ssyncset.done $0x0  }
0xa5: {  	s25 =	simm.s32 $0x1B8E;
	s24 =	sld [smem:$0x3FFE];
	[sflag:s23] =	ssyncadd.s32 $0xFFFFFFFF  }
0xa6: {  	s26 =	simm.s32 $execute0_lowered;
	[smem:$0x3FD2] =	sst s25  }
0xa7: {  	s6 =	sshll.u32 s26, $0x1;
	_ =	strace $0x80000046;
	[dreg:$0x1] =	wrdreg $0xFFFFFFFF  }
0xa8: {  	s28 =	simm.s32 $_size_execute0_lowered;
	s4 =	sadd.s32 s4, s6;
	[dreg:$0x0] =	wrdreg $0x0  }
0xa9: {  	s6 =	sshll.u32 s28, $0x1;
	[dreg:$0x2] =	wrdreg s4  }
0xaa: {  	[dreg:$0x3] =	wrdreg s6  }
0xab: {  	[dreg:$0x4] =	wrdreg $0xC0  }
0xac: {  	_ =	task [dreg:s8], $0x5FFFF  }
0xad: {  	[dreg:$0x1] =	wrdreg $0xFFFFFFFF  }
0xae: {  	[dreg:$0x0] =	wrdreg $0x60  }
0xaf: {  	[dreg:$0x2] =	wrdreg s2  }
0xb0: {  	[dreg:$0x3] =	wrdreg s24  }
0xb1: {  	[dreg:$0x4] =	wrdreg s18  }
0xb2: {  	[dreg:$0x5] =	wrdreg $0x9  }
0xb3: {  	_ =	task.clear_ibuf [dreg:s8], $0x6FFFF;
	_ =	strace $0x90000046  }
0xb4: {  	s29 =	simm.s32 $0x9;
	_ =	strace $0x80000048  }
0xb5: {  	_ =	swait.ge [sflag:s29], $0x1  }
0xb6: {  	[sflag:s29] =	ssyncadd.s32 $0xFFFFFFFF  }
0xb7: {  	_ =	strace $0x90000048  }
0xb8: {  	_ =	sfence  }
0xb9: {  	s30 =	sld [smem:$0x0];
	_ =	sdelay $0x2  }
0xba: {  	s31 =	sshll.u32 s1, $0xD;
	s1 =	sshrl.u32 s1, $0x2  }
0xbb: {  	s3 =	sand.u32 $0x4000, s31;
	s1 =	sadd.s32 s1, s30  }
0xbc: {  	s0 =	sor.u32 s3, s0;
	s1 =	sshll.u32 s1, $0x11  }
0xbd: {  	s0 =	sor.u32 s1, s0  }
0xbe: {  	s0 =	sadd.s32 $0x8F2B, s0  }
0xbf: {  	[sflag:s0] =	ssyncadd.remote.s32 $0x1  }
0xc0: {  	_ =	sfence.sel $0xFFFF  }
0xc1: {  	[dreg:$0x0] =	wrdreg $0xFFFFFFFF;
	(pc) =	sbr.abs _section_cstart, $3  }
0xc2: {  	[dreg:$0x1] =	wrdreg $0xFFFFFFFF  }
0xc3: {  	_ =	task.clear_ibuf [dreg:s8], $0x2FFFF;
	_ =	strace $0x9FFFFFFF  }
0xc4: {  	(tm) =	ssettm $0x7FFFFFFF  }
0xc5: {  	_ =	shalt  }
tec
execute0_lowered:
.L_overlay_start_1:
0x0: {  	(tag) =	ssettag $0x1  }
0x1: {  	s0 =	rddreg [dreg:$0x0]  }
0x2: {  	s1 =	rddreg [dreg:$0x1]  }
0x3: {  	s2 =	srdreg.scid;
	s12 =	stileid.u32  }
0x4: {  	s5 =	rddreg [dreg:$0x2];
	s18 =	simm.s32 $0x9;
	s19 =	simm.s32 $0x80  }
0x5: {  	s28 =	simm.s32 $0x2;
	s29 =	simm.s32 $0x5;
	s11 =	smul.u32 $0x320000, s12  }
0x6: {  	s6 =	sand.u32 $0x1, s2;
	s3 =	sshll.u32 s12, $0x1;
	s12 =	smul.u32 $0xC800, s12  }
0x7: {  	s31 =	simm.s32 $0x3;
	s2 =	simm.s32 $0x0;
	s23 =	smul.u32 $0x190000, s6  }
0x8: {  	s4 =	sor.u32 s6, s3;
	s7 =	ssub.s32 $0x2, s6;
	s6 =	smul.u32 $0x6400, s6  }
0x9: {  	s30 =	simm.s32 $0x8;
	[smem:$0x7FF] =	sst s2;
	s8 =	smul.u32 $0x6400, s4  }
0xa: {  	s3 =	sadd.s32 $0x800, s1;
	s1 =	simm.s32 $0x6;
	s10 =	smul.u32 $0x32000, s4  }
0xb: {  	_ =	strace $0x80000047;
	s9 =	sshrl.u32 s7, $0x1;
	s21 =	smul.u32 $0x190000, s4  }
0xc: {  	s20 =	ssub.s32 s7, s9;
	s6 =	sadd.s32 s6, s12;
	s8 =	sshrl.u32 s8, $0x3  }
0xd: {  	s4 =	sadd.s32 s5, s10;
	s7 =	sshrl.u32 s21, $0x3;
	s6 =	sshll.u32 s6, $0x3  }
0xe: {  	s13 =	smax.u32 s20, $0x1;
	s20 =	simm.s32 $0x6400;
	s0 =	sadd.s32 s0, s8  }
0xf: {  	s21 =	simm.s32 $0x8400;
	s22 =	sadd.s32 $0x400, s4;
	[dreg:$0x4] =	wrdreg s0  }
0x10: {  	s24 =	sadd.s32 $0x800, s4;
	s25 =	sadd.s32 $0xC00, s4;
	[dreg:$0x5] =	wrdreg s22  }
0x11: {  	s7 =	sadd.s32 s5, s7;
	s26 =	sadd.s32 s6, s5;
	[dreg:$0x6] =	wrdreg s24  }
0x12: {  	[dreg:$0x7] =	wrdreg s25;
	s9 =	sadd.s32 $0x31000, s7;
	s10 =	sadd.s32 $0x31400, s7  }
0x13: {  	s0 =	sadd.s32 s23, s11;
	s11 =	sadd.s32 $0x31800, s7;
	s12 =	sadd.s32 $0x31C00, s7  }
0x14: {  	s15 =	sadd.s32 $0x1400, s26;
	s16 =	sadd.s32 $0x1C00, s26;
	s17 =	sadd.s32 $0x1800, s26  }
0x15: {  	s23 =	simm.s32 $0xA400;
	s24 =	simm.s32 $0x1;
	s0 =	sor.u32 $0x8000, s0  }
0x16: {  	s26 =	simm.s32 $0xC400;
	s22 =	simm.s32 $0x4;
	s0 =	sshrl.u32 s0, $0x3  }
0x17: {  	s25 =	simm.s32 $0x7;
	s14 =	sadd.s32 s0, s5;
	s0 =	simm.s32 $0x0  }
.LBB2_1:
0x18: {  	s5 =	rddreg [dreg:$0x4]  }
0x19: {  	[tilespmem:s2], [sflag:$0x9] =	stream.linear.gather [hbm4b:s5+s2], $0x6400, $0x38;
	[tilespmem:$0xE400] =	vst v63  }
0x1a: {  	_ =	swait.ge [sflag:s18], $0x6400  }
0x1b: {  	[sflag:s18] =	ssyncset.done $0x0  }
0x1c: {  	[sflag:s18] =	ssyncadd.s32 $0xFFFF9C00  }
0x1d: {  	[tilespmem:s20], [sflag:$0x1] =	stream.indirect.gather [hbm4b:s3+s19], $0x40, s2, s19, $0xb8;
	[tilespmem:$0xE400] =	vst v63  }
0x1e: {  	_ = 	snop  }
0x1f: {  	[tilespmem:s21], [sflag:$0x2] =	stream.indirect.gather [hbm4b:s3+s19], $0x40, s19, s19, $0xb8;
	[tilespmem:$0xE400] =	vst v63  }
0x20: {  	s7 =	simm.s32 $0x100  }
0x21: {  	[tilespmem:s23], [sflag:$0x3] =	stream.indirect.gather [hbm4b:s3+s19], $0x40, s7, s19, $0xb8;
	[tilespmem:$0xE400] =	vst v63  }
0x22: {  	_ =	swait.ge [sflag:s24], $0x2000  }
0x23: {  	[sflag:s24] =	ssyncset.done $0x0  }
0x24: {  	[sflag:s24] =	ssyncadd.s32 $0xFFFFE000  }
0x25: {  	[hbm4b:s4+s2] =	stream.linear.scatter [tilespmem:s20], [sflag:$0x5], $0x2000, $0x38;
	[tilespmem:$0xE400] =	vst v63  }
0x26: {  	s8 =	simm.s32 $0x180  }
0x27: {  	[tilespmem:s26], [sflag:$0x4] =	stream.indirect.gather [hbm4b:s3+s19], $0x40, s8, s19, $0xb8;
	[tilespmem:$0xE400] =	vst v63  }
0x28: {  	_ =	swait.ge [sflag:s28], $0x2000  }
0x29: {  	[sflag:s28] =	ssyncset.done $0x0  }
0x2a: {  	s6 =	rddreg [dreg:$0x5];
	[sflag:s28] =	ssyncadd.s32 $0xFFFFE000  }
0x2b: {  	[hbm4b:s6+s2] =	stream.linear.scatter [tilespmem:s21], [sflag:$0x6], $0x2000, $0x38;
	[tilespmem:$0xE400] =	vst v63  }
0x2c: {  	_ =	swait.ge [sflag:s29], $0x2000  }
0x2d: {  	[sflag:s29] =	ssyncset.done $0x0  }
0x2e: {  	s7 =	simm.s32 $0x200;
	[sflag:s29] =	ssyncadd.s32 $0xFFFFE000  }
0x2f: {  	[tilespmem:s20], [sflag:$0x1] =	stream.indirect.gather [hbm4b:s3+s19], $0x40, s7, s19, $0xb8;
	[tilespmem:$0xE400] =	vst v63  }
0x30: {  	_ =	swait.ge [sflag:s31], $0x2000  }
0x31: {  	[sflag:s31] =	ssyncset.done $0x0  }
0x32: {  	s8 =	rddreg [dreg:$0x6];
	[sflag:s31] =	ssyncadd.s32 $0xFFFFE000  }
0x33: {  	[hbm4b:s8+s2] =	stream.linear.scatter [tilespmem:s23], [sflag:$0x7], $0x2000, $0x38;
	[tilespmem:$0xE400] =	vst v63  }
0x34: {  	_ =	swait.ge [sflag:s1], $0x2000  }
0x35: {  	[sflag:s1] =	ssyncset.done $0x0  }
0x36: {  	s6 =	simm.s32 $0x280;
	[sflag:s1] =	ssyncadd.s32 $0xFFFFE000  }
0x37: {  	[tilespmem:s21], [sflag:$0x2] =	stream.indirect.gather [hbm4b:s3+s19], $0x40, s6, s19, $0xb8;
	[tilespmem:$0xE400] =	vst v63  }
0x38: {  	_ =	swait.ge [sflag:s22], $0x2000  }
0x39: {  	[sflag:s22] =	ssyncset.done $0x0  }
0x3a: {  	s7 =	rddreg [dreg:$0x7];
	[sflag:s22] =	ssyncadd.s32 $0xFFFFE000  }
0x3b: {  	[hbm4b:s7+s2] =	stream.linear.scatter [tilespmem:s26], [sflag:$0x8], $0x2000, $0x38;
	[tilespmem:$0xE400] =	vst v63  }
0x3c: {  	_ =	swait.ge [sflag:s25], $0x2000  }
0x3d: {  	[sflag:s25] =	ssyncset.done $0x0  }
0x3e: {  	s8 =	simm.s32 $0x300;
	[sflag:s25] =	ssyncadd.s32 $0xFFFFE000  }
0x3f: {  	[tilespmem:s23], [sflag:$0x3] =	stream.indirect.gather [hbm4b:s3+s19], $0x40, s8, s19, $0xb8;
	[tilespmem:$0xE400] =	vst v63  }
0x40: {  	_ =	swait.ge [sflag:s24], $0x2000  }
0x41: {  	[sflag:s24] =	ssyncset.done $0x0  }
0x42: {  	s6 =	sadd.s32 $0x0, s14;
	[sflag:s24] =	ssyncadd.s32 $0xFFFFE000  }
0x43: {  	[hbm4b:s6+s2] =	stream.linear.scatter [tilespmem:s20], [sflag:$0x5], $0x2000, $0x38;
	[tilespmem:$0xE400] =	vst v63  }
0x44: {  	_ =	swait.ge [sflag:s30], $0x2000  }
0x45: {  	[sflag:s30] =	ssyncset.done $0x0  }
0x46: {  	s7 =	simm.s32 $0x380;
	[sflag:s30] =	ssyncadd.s32 $0xFFFFE000  }
0x47: {  	[tilespmem:s26], [sflag:$0x4] =	stream.indirect.gather [hbm4b:s3+s19], $0x40, s7, s19, $0xb8;
	[tilespmem:$0xE400] =	vst v63  }
0x48: {  	_ =	swait.ge [sflag:s28], $0x2000  }
0x49: {  	[sflag:s28] =	ssyncset.done $0x0  }
0x4a: {  	s8 =	sadd.s32 $0x0, s15;
	[sflag:s28] =	ssyncadd.s32 $0xFFFFE000  }
0x4b: {  	[hbm4b:s8+s2] =	stream.linear.scatter [tilespmem:s21], [sflag:$0x6], $0x2000, $0x38;
	[tilespmem:$0xE400] =	vst v63  }
0x4c: {  	_ =	swait.ge [sflag:s29], $0x2000  }
0x4d: {  	[sflag:s29] =	ssyncset.done $0x0  }
0x4e: {  	s6 =	simm.s32 $0x400;
	[sflag:s29] =	ssyncadd.s32 $0xFFFFE000  }
0x4f: {  	[tilespmem:s20], [sflag:$0x1] =	stream.indirect.gather [hbm4b:s3+s19], $0x40, s6, s19, $0xb8;
	[tilespmem:$0xE400] =	vst v63  }
0x50: {  	_ =	swait.ge [sflag:s31], $0x2000  }
0x51: {  	[sflag:s31] =	ssyncset.done $0x0  }
0x52: {  	s7 =	sadd.s32 $0x0, s17;
	[sflag:s31] =	ssyncadd.s32 $0xFFFFE000  }
0x53: {  	[hbm4b:s7+s2] =	stream.linear.scatter [tilespmem:s23], [sflag:$0x7], $0x2000, $0x38;
	[tilespmem:$0xE400] =	vst v63  }
0x54: {  	_ =	swait.ge [sflag:s1], $0x2000  }
0x55: {  	[sflag:s1] =	ssyncset.done $0x0  }
0x56: {  	s8 =	simm.s32 $0x480;
	[sflag:s1] =	ssyncadd.s32 $0xFFFFE000  }
0x57: {  	[tilespmem:s21], [sflag:$0x2] =	stream.indirect.gather [hbm4b:s3+s19], $0x40, s8, s19, $0xb8;
	[tilespmem:$0xE400] =	vst v63  }
0x58: {  	_ =	swait.ge [sflag:s22], $0x2000  }
0x59: {  	s5 =	simm.s32 $0x1000;
	[sflag:s22] =	ssyncset.done $0x0  }
0x5a: {  	s6 =	simm.s32 $0x680;
	s7 =	sadd.s32 $0x0, s16;
	[sflag:s22] =	ssyncadd.s32 $0xFFFFE000  }
.LBB2_2:
0x5b: {  	[hbm4b:s7+s2] =	stream.linear.scatter [tilespmem:s26], [sflag:$0x8], $0x2000, $0x38;
	[tilespmem:$0xE400] =	vst v63  }
0x5c: {  	s7 =	smov.u32 s5  }
0x5d: {  	p0 =	sne.s32 s5, $0x2F000;
	s5 =	sadd.s32 $0x1000, s5;
	_ =	swait.ge [sflag:s25], $0x2000  }
0x5e: {  	[sflag:s25] =	ssyncset.done $0x0  }
0x5f: {  	s8 =	sadd.s32 $0xFFFFFE80, s6;
	[sflag:s25] =	ssyncadd.s32 $0xFFFFE000  }
0x60: {  	[tilespmem:s23], [sflag:$0x3] =	stream.indirect.gather [hbm4b:s3+s19], $0x40, s8, s19, $0xb8;
	[tilespmem:$0xE400] =	vst v63  }
0x61: {  	_ =	swait.ge [sflag:s24], $0x2000  }
0x62: {  	[sflag:s24] =	ssyncset.done $0x0  }
0x63: {  	s8 =	sadd.s32 s7, s14;
	[sflag:s24] =	ssyncadd.s32 $0xFFFFE000  }
0x64: {  	[hbm4b:s8+s2] =	stream.linear.scatter [tilespmem:s20], [sflag:$0x5], $0x2000, $0x38;
	[tilespmem:$0xE400] =	vst v63  }
0x65: {  	_ =	swait.ge [sflag:s30], $0x2000  }
0x66: {  	[sflag:s30] =	ssyncset.done $0x0  }
0x67: {  	s8 =	sadd.s32 $0xFFFFFF00, s6;
	[sflag:s30] =	ssyncadd.s32 $0xFFFFE000  }
0x68: {  	[tilespmem:s26], [sflag:$0x4] =	stream.indirect.gather [hbm4b:s3+s19], $0x40, s8, s19, $0xb8;
	[tilespmem:$0xE400] =	vst v63  }
0x69: {  	_ =	swait.ge [sflag:s28], $0x2000  }
0x6a: {  	[sflag:s28] =	ssyncset.done $0x0  }
0x6b: {  	s8 =	sadd.s32 s7, s15;
	[sflag:s28] =	ssyncadd.s32 $0xFFFFE000  }
0x6c: {  	[hbm4b:s8+s2] =	stream.linear.scatter [tilespmem:s21], [sflag:$0x6], $0x2000, $0x38;
	[tilespmem:$0xE400] =	vst v63  }
0x6d: {  	_ =	swait.ge [sflag:s29], $0x2000  }
0x6e: {  	[sflag:s29] =	ssyncset.done $0x0  }
0x6f: {  	s8 =	sadd.s32 $0xFFFFFF80, s6;
	[sflag:s29] =	ssyncadd.s32 $0xFFFFE000  }
0x70: {  	[tilespmem:s20], [sflag:$0x1] =	stream.indirect.gather [hbm4b:s3+s19], $0x40, s8, s19, $0xb8;
	[tilespmem:$0xE400] =	vst v63  }
0x71: {  	_ =	swait.ge [sflag:s31], $0x2000  }
0x72: {  	[sflag:s31] =	ssyncset.done $0x0  }
0x73: {  	s8 =	sadd.s32 s7, s17;
	[sflag:s31] =	ssyncadd.s32 $0xFFFFE000  }
0x74: {  	[hbm4b:s8+s2] =	stream.linear.scatter [tilespmem:s23], [sflag:$0x7], $0x2000, $0x38;
	[tilespmem:$0xE400] =	vst v63  }
0x75: {  	_ =	swait.ge [sflag:s1], $0x2000  }
0x76: {  	[sflag:s1] =	ssyncset.done $0x0  }
.Ltmp0:
0x77: {  	[sflag:s1] =	ssyncadd.s32 $0xFFFFE000;
	(pc) =	sbr.rel @p0 .LBB2_2-.Ltmp0, $4  }
0x78: {  	[tilespmem:s21], [sflag:$0x2] =	stream.indirect.gather [hbm4b:s3+s19], $0x40, s6, s19, $0xb8;
	[tilespmem:$0xE400] =	vst v63  }
0x79: {  	_ =	swait.ge [sflag:s22], $0x2000  }
0x7a: {  	[sflag:s22] =	ssyncset.done $0x0  }
0x7b: {  	s7 =	sadd.s32 s7, s16;
	s6 =	sadd.s32 $0x200, s6;
	[sflag:s22] =	ssyncadd.s32 $0xFFFFE000  }
0x7c: {  	[hbm4b:s7+s2] =	stream.linear.scatter [tilespmem:s26], [sflag:$0x8], $0x2000, $0x38;
	[tilespmem:$0xE400] =	vst v63  }
0x7d: {  	_ =	swait.ge [sflag:s25], $0x2000  }
0x7e: {  	[sflag:s25] =	ssyncset.done $0x0  }
0x7f: {  	s5 =	simm.s32 $0x6300;
	[sflag:s25] =	ssyncadd.s32 $0xFFFFE000  }
0x80: {  	[tilespmem:s23], [sflag:$0x3] =	stream.indirect.gather [hbm4b:s3+s19], $0x40, s5, s19, $0xb8;
	[tilespmem:$0xE400] =	vst v63  }
0x81: {  	_ =	swait.ge [sflag:s24], $0x2000  }
0x82: {  	[sflag:s24] =	ssyncset.done $0x0  }
0x83: {  	[sflag:s24] =	ssyncadd.s32 $0xFFFFE000  }
0x84: {  	[hbm4b:s9+s2] =	stream.linear.scatter [tilespmem:s20], [sflag:$0x5], $0x2000, $0x38;
	[tilespmem:$0xE400] =	vst v63  }
0x85: {  	_ =	swait.ge [sflag:s30], $0x2000  }
0x86: {  	[sflag:s30] =	ssyncset.done $0x0  }
0x87: {  	s8 =	simm.s32 $0x6380;
	[sflag:s30] =	ssyncadd.s32 $0xFFFFE000  }
0x88: {  	[tilespmem:s26], [sflag:$0x4] =	stream.indirect.gather [hbm4b:s3+s19], $0x40, s8, s19, $0xb8;
	[tilespmem:$0xE400] =	vst v63  }
0x89: {  	_ =	swait.ge [sflag:s28], $0x2000  }
0x8a: {  	[sflag:s28] =	ssyncset.done $0x0  }
0x8b: {  	[sflag:s28] =	ssyncadd.s32 $0xFFFFE000  }
0x8c: {  	[hbm4b:s10+s2] =	stream.linear.scatter [tilespmem:s21], [sflag:$0x6], $0x2000, $0x38;
	[tilespmem:$0xE400] =	vst v63  }
0x8d: {  	_ =	swait.ge [sflag:s31], $0x2000  }
0x8e: {  	[sflag:s31] =	ssyncset.done $0x0  }
0x8f: {  	[sflag:s31] =	ssyncadd.s32 $0xFFFFE000  }
0x90: {  	[hbm4b:s11+s2] =	stream.linear.scatter [tilespmem:s23], [sflag:$0x7], $0x2000, $0x38;
	[tilespmem:$0xE400] =	vst v63  }
0x91: {  	_ =	swait.ge [sflag:s22], $0x2000  }
0x92: {  	[sflag:s22] =	ssyncset.done $0x0  }
0x93: {  	[sflag:s22] =	ssyncadd.s32 $0xFFFFE000  }
0x94: {  	[hbm4b:s12+s2] =	stream.linear.scatter [tilespmem:s26], [sflag:$0x8], $0x2000, $0x38;
	[tilespmem:$0xE400] =	vst v63  }
0x95: {  	_ =	swait.ge [sflag:s29], $0x2000  }
0x96: {  	[sflag:s29] =	ssyncset.done $0x0  }
0x97: {  	[sflag:s29] =	ssyncadd.s32 $0xFFFFE000  }
0x98: {  	_ =	swait.ge [sflag:s1], $0x2000  }
0x99: {  	[sflag:s1] =	ssyncset.done $0x0  }
0x9a: {  	s0 =	sadd.s32 $0x1, s0;
	[sflag:s1] =	ssyncadd.s32 $0xFFFFE000  }
0x9b: {  	p0 =	sne.s32 s0, s13;
	_ =	swait.ge [sflag:s25], $0x2000  }
.Ltmp1:
0x9c: {  	[sflag:s25] =	ssyncset.done $0x0;
	(pc) =	sbr.rel @p0 .LBB2_1-.Ltmp1, $4  }
0x9d: {  	[sflag:s25] =	ssyncadd.s32 $0xFFFFE000  }
0x9e: {  	_ =	swait.ge [sflag:s30], $0x2000  }
0x9f: {  	[sflag:s30] =	ssyncset.done $0x0  }
0xa0: {  	[sflag:s30] =	ssyncadd.s32 $0xFFFFE000  }
0xa1: {  	_ =	sfence.sel $0x180000  }
0xa2: {  	[bflag:$0x0] =	sbarrier.arrive $0xFFFF  }
0xa3: {  	_ =	strace $0x90000047  }
0xa4: {  	s0 =	stileid.u32;
	[bflag:$0x2] =	sbarrier.arrive $0xFFFF  }
0xa5: {  	p0 =	sne.s32 s0, $0x0;
	s0 =	rddreg [dreg:$0x3]  }
0xa6: {  	s0 =	sadd.s32 @!p0 $0x100000, s0  }
0xa7: {  	[sflag:s0] =	ssyncadd.tile.s32 @!p0 $0x1;
	_ =	shalt  }
.Lfunc_end2:
_tile_overlayer_lowered:
.L_overlay_start_2:
0xa8: {  	(tag) =	ssettag $0x2  }
0xa9: {  	s0 =	rddreg [dreg:$0x0];
	s2 =	stileid.u32  }
0xaa: {  	s1 =	rddreg [dreg:$0x1];
	p0 =	sne.s32 s2, $0x0  }
0xab: {  	s3 =	rddreg [dreg:$0x2];
	[bflag:$0x3] =	sbarrier.arrive $0xFFFF;
	s2 =	simm.s32 @!p0 $0x1C09  }
0xac: {  	[timem:s3], [sflag:s2] =	dma.local @!p0 [hbm:s0], s1  }
0xad: {  	s0 =	simm.s32 @!p0 $0x9  }
0xae: {  	_ =	swait.ge @!p0 [sflag:s0], s1  }
0xaf: {  	s1 =	ssub.s32 @!p0 $0x0, s1;
	[sflag:s0] =	ssyncset.done @!p0 $0x0  }
0xb0: {  	[sflag:s0] =	ssyncadd.s32 @!p0 s1  }
0xb1: {  	[bflag:$0x3] =	sbarrier.arrive $0xFFFF  }
0xb2: {  	_ =	shalt  }

// kernel: sparse-core-data-format-call.cloned.1.call-start
scs
called_computation_lowered:
.L_overlay_start_0:
0x0: {  	s2 =	sld [smem:$0x3FD9]  }
0x1: {  	s3 =	sld [smem:$0x3FFE];
	_ =	sdelay $0x1  }
0x2: {  	s1 =	srdreg.scid  }
0x3: {  	s0 =	sand.u32 $0x1, s1  }
0x4: {  	s18 =	sshll.u32 s0, $0xA;
	s2 =	sadd.s32 s3, s2  }
0x5: {  	s2 =	sadd.s32 s2, s18  }
0x6: {  	[smem:$0x3FC6] =	sst s2  }
0x7: {  	_ = 	snop  }
0x8: {  	s2 =	sld [smem:$0x3FD0];
	(tm) =	ssettm $0x1  }
0x9: {  	s19 =	sld [smem:$0x3FFB];
	_ =	sdelay $0x3  }
0xa: {  	_ =	strace s19  }
0xb: {  	s3 =	sld [smem:$0x3FFC];
	_ =	sdelay $0x3  }
0xc: {  	_ =	strace s3  }
0xd: {  	s3 =	sld [smem:$0x3FFD];
	_ =	sdelay $0x3  }
0xe: {  	_ =	strace s3  }
0xf: {  	_ =	strace $0x8FFFFFFF  }
0x10: {  	s20 =	sld [smem:$0x3FDB];
	_ =	sdelay $0x1  }
0x11: {  	s4 =	simm.s32 $_scs_section_size  }
0x12: {  	s5 =	simm.s32 $_size__tile_overlayer_lowered;
	s6 =	simm.s32 $_tile_overlayer_lowered  }
0x13: {  	s23 =	simm.s32 $0x1BFF;
	s22 =	sshll.u32 s6, $0x1;
	s3 =	sadd.s32 s4, s20  }
0x14: {  	s7 =	simm.s32 $0x0;
	s21 =	sshll.u32 s5, $0x1;
	s5 =	sadd.s32 s22, s3  }
0x15: {  	[timem:s7], [sflag:s23] =	dma.local [hbm:s5], s21  }
0x16: {  	_ =	swait.ge [sflag:s23], s21  }
0x17: {  	s4 =	ssub.s32 $0x0, s21;
	[sflag:s23] =	ssyncset.done $0x0  }
0x18: {  	[sflag:s23] =	ssyncadd.s32 s4;
	_ =	sdelay $0x1  }
0x19: {  	s24 =	simm.s32 $0x1B8B  }
0x1a: {  	_ =	swait.ge [sflag:s24], $0x1  }
0x1b: {  	[sflag:s24] =	ssyncset.done $0x0  }
0x1c: {  	s26 =	simm.s32 $0x1B8E;
	s25 =	sld [smem:$0x3FFE];
	[sflag:s24] =	ssyncadd.s32 $0xFFFFFFFF  }
0x1d: {  	s27 =	simm.s32 $execute0_lowered;
	[smem:$0x3FD2] =	sst s26  }
0x1e: {  	s5 =	sshll.u32 s27, $0x1;
	_ =	strace $0x80000049;
	[dreg:$0x1] =	wrdreg $0xFFFFFFFF  }
0x1f: {  	s28 =	simm.s32 $_size_execute0_lowered;
	s3 =	sadd.s32 s3, s5;
	[dreg:$0x0] =	wrdreg $0x0  }
0x20: {  	s5 =	sshll.u32 s28, $0x1;
	[dreg:$0x2] =	wrdreg s3  }
0x21: {  	[dreg:$0x3] =	wrdreg s5  }
0x22: {  	[dreg:$0x4] =	wrdreg $0xC0  }
0x23: {  	_ =	task [dreg:s7], $0x5FFFF  }
0x24: {  	[dreg:$0x1] =	wrdreg $0xFFFFFFFF  }
0x25: {  	[dreg:$0x0] =	wrdreg $0x60  }
0x26: {  	[dreg:$0x2] =	wrdreg s25  }
0x27: {  	[dreg:$0x3] =	wrdreg s2  }
0x28: {  	[dreg:$0x4] =	wrdreg $0x9  }
0x29: {  	_ =	task.clear_ibuf [dreg:s7], $0x5FFFF;
	_ =	strace $0x90000049  }
0x2a: {  	s29 =	simm.s32 $0x9;
	_ =	strace $0x8000004B  }
0x2b: {  	_ =	swait.ge [sflag:s29], $0x1  }
0x2c: {  	[sflag:s29] =	ssyncadd.s32 $0xFFFFFFFF  }
0x2d: {  	_ =	strace $0x9000004B  }
0x2e: {  	_ =	sfence  }
0x2f: {  	s30 =	sld [smem:$0x0];
	_ =	sdelay $0x2  }
0x30: {  	s31 =	sshll.u32 s1, $0xD;
	s1 =	sshrl.u32 s1, $0x2  }
0x31: {  	s3 =	sand.u32 $0x4000, s31;
	s1 =	sadd.s32 s1, s30  }
0x32: {  	s0 =	sor.u32 s3, s0;
	s1 =	sshll.u32 s1, $0x11  }
0x33: {  	s0 =	sor.u32 s1, s0  }
0x34: {  	s0 =	sadd.s32 $0x8F2B, s0  }
0x35: {  	[sflag:s0] =	ssyncadd.remote.s32 $0x1  }
0x36: {  	_ =	sfence.sel $0xFFFF  }
0x37: {  	[dreg:$0x0] =	wrdreg $0xFFFFFFFF;
	(pc) =	sbr.abs _section_cstart, $3  }
0x38: {  	[dreg:$0x1] =	wrdreg $0xFFFFFFFF  }
0x39: {  	_ =	task.clear_ibuf [dreg:s7], $0x2FFFF;
	_ =	strace $0x9FFFFFFF  }
0x3a: {  	(tm) =	ssettm $0x7FFFFFFF  }
0x3b: {  	_ =	shalt  }
tec
execute0_lowered:
.L_overlay_start_1:
0x0: {  	(tag) =	ssettag $0x1  }
0x1: {  	s0 =	srdreg.scid  }
0x2: {  	s1 =	sshll.u32 s0, $0x4  }
0x3: {  	s4 =	rddreg [dreg:$0x0];
	s0 =	stileid.u32;
	s1 =	sand.u32 $0x10, s1  }
0x4: {  	s2 =	rddreg [dreg:$0x1];
	s7 =	simm.s32 $0x1;
	s1 =	sor.u32 s0, s1  }
0x5: {  	s8 =	simm.s32 $0x2;
	s11 =	simm.s32 $0x0;
	s3 =	sshll.u32 s1, $0x7  }
0x6: {  	s10 =	simm.s32 $0x0;
	s4 =	sadd.s32 $0x800, s4;
	s6 =	ssub.s32 $0xC8000, s3  }
.Ltmp0:
0x7: {  	s1 =	rddreg [dreg:$0x2];
	s5 =	sand.u32 $0xF80, s6;
	(pc) =	sbr.rel .LBB1_1-.Ltmp0, $4  }
0x8: {  	_ =	strace $0x8000004A;
	s9 =	smov.u32 s3;
	p0 =	sne.s32 s5, $0x0  }
0x9: {  	s6 =	sshrl.u32 s6, $0xC;
	s5 =	simm.s32 $0x1;
	s7 =	simm.s32 @!p0 $0x0  }
0xa: {  	[sflag:s5] =	ssyncpa.u1 $0x0;
	p0 =	por $0x0, $0x0;
	s6 =	sadd.s32 s7, s6  }
0xb: {  	[sflag:s8] =	ssyncpa.u1 $0x0;
	s8 =	simm.s32 $0x640000;
	s7 =	sadd.s32 $0x1, s6  }
.LBB1_4:
0xc: {  	s14 =	sshll.u32 s11, $0x3  }
0xd: {  	s30 =	sand.u32 $0x7F, s11;
	s15 =	sand.u32 $0xFFFFFC00, s14  }
0xe: {  	s11 =	sor.u32 s30, s15  }
0xf: {  	s15 =	smulhi.u32 $0x51EB851F, s11  }
0x10: {  	s14 =	smulhi.u32 $0x51EB851F, s14  }
0x11: {  	s15 =	sshrl.u32 s15, $0x12  }
0x12: {  	s14 =	sshrl.u32 s14, $0x12;
	s15 =	smul.u32 $0xC8000, s15  }
0x13: {  	s14 =	sand.u32 $0x3F, s14  }
0x14: {  	s14 =	smul.u32 $0x19000, s14;
	s11 =	ssub.s32 s11, s15  }
0x15: {  	[tilespmem:s13+$0x810 ss:$0x81] =	vst.msk $0xffff, v2;
	s15 =	sand.u32 $0x7, s11  }
0x16: {  	[tilespmem:s13+$0x1020 ss:$0x81] =	vst.msk $0xffff, v0;
	s14 =	sadd.s32 s2, s14;
	s11 =	sshrl.u32 s11, $0x3;
	s15 =	sshll.u32 s15, $0x12  }
0x17: {  	[tilespmem:s13+$0x0 ss:$0x81] =	vst.msk $0xffff, v1;
	s11 =	sadd.s32 s11, s14;
	s31 =	sor.u32 $0x400, s15  }
0x18: {  	[hbm4b:s11+s31] =	stream.strided.scatter [tilespmem:s12], [sflag:$0x2], $0x2000, s8, s31, $0x20;
	[tilespmem:$0x8080] =	vst v63  }
.LBB1_5:
0x19: {  	s13 =	sadd.s32 $0x1000, s9  }
0x1a: {  	p2 =	sgt.s32 s13, $0xC7FFF  }
0x1b: {  	s13 =	smov.u32 @p2 s3;
	p2 =	sne.s32 s10, s7  }
.Ltmp1:
0x1c: {  	p1 =	slt.u32 s10, $0x2;
	(pc) =	sbr.rel @!p2 .LBB1_6-.Ltmp1, $4  }
0x1d: {  	s12 =	simm.s32 @!p1 $0x2  }
0x1e: {  	s14 =	sadd.s32 $0x1, s10;
	_ =	swait.ge @!p1 [sflag:s12], $0x2000  }
0x1f: {  	s11 =	smov.u32 s9;
	p0 =	por !p0, !p0;
	[sflag:s12] =	ssyncset.done @!p1 $0x0  }
0x20: {  	s10 =	smov.u32 s14;
	s9 =	smov.u32 s13;
	[sflag:s12] =	ssyncadd.s32 @!p1 $0xFFFFE000  }
.LBB1_1:
0x21: {  	p1 =	sge.u32 s10, s6  }
0x22: {  	s12 =	sand.u32 @!p1 $0x1FFFFFF, s9  }
0x23: {  	s13 =	smulhi.u32 @!p1 $0x147AE15, s12;
	_ =	sdelay $0x1  }
0x24: {  	s13 =	sshrl.u32 @!p1 s13, $0xC  }
0x25: {  	s13 =	smul.u32 @!p1 $0xC8000, s13;
	_ =	sdelay $0x1  }
0x26: {  	s31 =	sadd.s32 $0xFFFFFFFF, s10;
	s14 =	sxor.u32 @!p1 $0xFFFFFFFF, s10;
	s12 =	ssub.s32 @!p1 s12, s13  }
0x27: {  	s15 =	simm.s32 @!p1 $0x80;
	s14 =	sshll.u32 @!p1 s14, $0xD;
	s12 =	sshll.u32 @!p1 s12, $0x4  }
0x28: {  	s13 =	sand.u32 @!p1 $0x2000, s14;
	s14 =	simm.s32 @!p1 $0x40;
	s12 =	sadd.s32 @!p1 s4, s12  }
0x29: {  	[tilespmem:s13], [sflag:$0x1] =	stream.strided.gather @!p1 [hbm4b:s12+s14], $0x2000, s15, s14, $0x38;
	[tilespmem:$0x8080] =	vst v63  }
0x2a: {  	p1 =	sge.u32 s31, s6  }
.Ltmp2:
0x2b: {  	_ = 	snop;
	(pc) =	sbr.rel @p1 .LBB1_5-.Ltmp2, $1  }
0x2c: {  	_ =	sdelay $0x3  }
0x2d: {  	s12 =	simm.s32 $0x1  }
0x2e: {  	_ =	swait.ge [sflag:s5], $0x2000;
	s12 =	simm.s32 @!p0 $0x0  }
0x2f: {  	[sflag:s5] =	ssyncset.done $0x0;
	s13 =	sshll.u32 s12, $0xD  }
0x30: {  	[sflag:s5] =	ssyncadd.s32 $0xFFFFE000;
	s16 =	sor.u32 $0x20, s13  }
0x31: {  	s12 =	smul.u32 $0x8100, s12;
	v3 =	vld [tilespmem:s16+$0x10]  }
0x32: {  	s30 =	sand.u32 $0x1, s10;
	v2 =	vld [tilespmem:s16+$0xFFFFFFF0]  }
0x33: {  	s13 =	smul.u32 $0x8100, s30;
	s12 =	sshrl.u32 s12, $0x2;
	v0 =	vld [tilespmem:s16+$0x0]  }
0x34: {  	v1 =	vld [tilespmem:s16+$0xFFFFFFE0];
	s14 =	sor.u32 $0x4000, s12  }
0x35: {  	s31 =	sshrl.u32 s13, $0x2;
	s13 =	sadd.s32 $0x0, s14  }
0x36: {  	s15 =	simm.s32 $0x4;
	s16 =	sadd.s32 $0x40, s16;
	s12 =	sor.u32 $0x4000, s31;
	[tilespmem:s13+$0x1830 ss:$0x81] =	vst.msk $0xffff, v3  }
.LBB1_3:
0x37: {  	v3 =	vld [tilespmem:s16+$0x10];
	p1 =	sne.s32 s15, $0x1FC;
	[tilespmem:s13+$0x810 ss:$0x81] =	vst.msk $0xffff, v2;
	s17 =	smov.u32 s15;
	s15 =	sadd.s32 $0x4, s15  }
.Ltmp3:
0x38: {  	v2 =	vld [tilespmem:s16+$0xFFFFFFF0];
	[tilespmem:s13+$0x1020 ss:$0x81] =	vst.msk $0xffff, v0;
	(pc) =	sbr.rel @p1 .LBB1_3-.Ltmp3, $4  }
0x39: {  	v0 =	vld [tilespmem:s16+$0x0];
	[tilespmem:s13+$0x0 ss:$0x81] =	vst.msk $0xffff, v1  }
0x3a: {  	s13 =	sshra.s32 s17, $0x2;
	v1 =	vld [tilespmem:s16+$0xFFFFFFE0]  }
0x3b: {  	s13 =	sadd.s32 s13, s14  }
0x3c: {  	s16 =	sadd.s32 $0x40, s16;
	[tilespmem:s13+$0x1830 ss:$0x81] =	vst.msk $0xffff, v3  }
.Ltmp4:
0x3d: {  	_ = 	snop;
	(pc) =	sbr.rel .LBB1_4-.Ltmp4, $1  }
0x3e: {  	_ =	sdelay $0x3  }
.LBB1_6:
0x3f: {  	_ =	sfence.sel $0x180000  }
0x40: {  	s2 =	simm.s32 $0x1;
	[bflag:$0x0] =	sbarrier.arrive $0xFFFF  }
0x41: {  	s31 =	simm.s32 $0x2;
	[sflag:s2] =	ssyncpa.u1 $0x1  }
0x42: {  	[sflag:s31] =	ssyncpa.u1 $0x1  }
0x43: {  	p0 =	sne.s32 s0, $0x0;
	_ =	strace $0x9000004A  }
0x44: {  	s0 =	sadd.s32 @!p0 $0x100000, s1;
	[bflag:$0x2] =	sbarrier.arrive $0xFFFF  }
0x45: {  	[sflag:s0] =	ssyncadd.tile.s32 @!p0 $0x1;
	_ =	shalt  }
.Lfunc_end1:
_tile_overlayer_lowered:
.L_overlay_start_2:
0x46: {  	(tag) =	ssettag $0x2  }
0x47: {  	s0 =	rddreg [dreg:$0x0];
	s2 =	stileid.u32  }
0x48: {  	s1 =	rddreg [dreg:$0x1];
	p0 =	sne.s32 s2, $0x0  }
0x49: {  	s3 =	rddreg [dreg:$0x2];
	[bflag:$0x3] =	sbarrier.arrive $0xFFFF;
	s2 =	simm.s32 @!p0 $0x1C01  }
0x4a: {  	[timem:s3], [sflag:s2] =	dma.local @!p0 [hbm:s0], s1  }
0x4b: {  	s0 =	simm.s32 @!p0 $0x1  }
0x4c: {  	_ =	swait.ge @!p0 [sflag:s0], s1  }
0x4d: {  	s1 =	ssub.s32 @!p0 $0x0, s1;
	[sflag:s0] =	ssyncset.done @!p0 $0x0  }
0x4e: {  	[sflag:s0] =	ssyncadd.s32 @!p0 s1  }
0x4f: {  	[bflag:$0x3] =	sbarrier.arrive $0xFFFF  }
0x50: {  	_ =	shalt  }

</sc_bundles>
